<compile_context>
chip_gen: v7x
topology: tpu7x:2x2x1
jax: 0.10.2.dev20260603
libtpu: 0.0.44.dev20260713+nightly
codegen_flags: <defaults>
</compile_context>

<pallas_src>
import functools

import jax
import jax.numpy as jnp
from jax import lax
from jax.experimental import pallas as pl
from jax.experimental.pallas import tpu as pltpu
from jax.experimental.pallas import tpu_sc as plsc

_NC = 2
_NS = 16
_NW = _NC * _NS
_CH = 80



def _in_msg_body(x_ref, Wi_ref, bi_ref, Wm_ref, bm_ref, h_ref, m_ref):
    h = jnp.maximum(
        jnp.dot(x_ref[...], Wi_ref[...], preferred_element_type=jnp.float32)
        + bi_ref[...], 0.0)
    h_ref[...] = h
    m_ref[...] = jnp.maximum(
        jnp.dot(h, Wm_ref[...], preferred_element_type=jnp.float32)
        + bm_ref[...], 0.0)


def _upd_msg_body(h_ref, p0_ref, p1_ref, Wu_ref, bu_ref,
                  Wm_ref, bm_ref, h2_ref, m2_ref):
    cat = jnp.concatenate([h_ref[...], p0_ref[0] + p1_ref[0]], axis=-1)
    hn = jnp.maximum(
        jnp.dot(cat, Wu_ref[...], preferred_element_type=jnp.float32)
        + bu_ref[...], 0.0)
    h2_ref[...] = hn
    m2_ref[...] = jnp.maximum(
        jnp.dot(hn, Wm_ref[...], preferred_element_type=jnp.float32)
        + bm_ref[...], 0.0)


def _upd_out_body(h_ref, p0_ref, p1_ref, Wu_ref, bu_ref,
                  wo_ref, bo_ref, out_ref):
    cat = jnp.concatenate([h_ref[...], p0_ref[0] + p1_ref[0]], axis=-1)
    hn = jnp.maximum(
        jnp.dot(cat, Wu_ref[...], preferred_element_type=jnp.float32)
        + bu_ref[...], 0.0)
    out_ref[...] = (jnp.dot(hn, wo_ref[...], preferred_element_type=jnp.float32)
                    + bo_ref[...])


def _row_spec(br, h):
    return pl.BlockSpec((br, h), lambda i: (i, 0))


def _full_spec(r, c):
    return pl.BlockSpec((r, c), lambda i: (0, 0))



@functools.lru_cache(maxsize=None)
def _make_edge_aggr(n, e, h):
    epw = e // _NW
    nch = epw // _CH
    rpt = n // _NS
    assert epw * _NW == e and nch * _CH == epw and rpt * _NS == n and rpt % 8 == 0
    assert nch % 2 == 1

    mesh = plsc.VectorSubcoreMesh(
        core_axis_name="c", subcore_axis_name="s",
        num_cores=_NC, num_subcores=_NS)

    @functools.partial(
        pl.kernel,
        out_type=jax.ShapeDtypeStruct((_NC, n, h), jnp.float32),
        mesh=mesh,
        scratch_types=[
            pltpu.VMEM((_CH,), jnp.int32),
            pltpu.VMEM((_CH,), jnp.int32),
            pltpu.VMEM((nch, _CH), jnp.int32),
            pltpu.VMEM((_CH, h), jnp.float32),
            pltpu.VMEM((_CH, h), jnp.float32),
            pltpu.VMEM_SHARED((n, h), jnp.float32),
            pltpu.SemaphoreType.DMA,
            pltpu.SemaphoreType.DMA,
            pltpu.SemaphoreType.DMA,
            pltpu.SemaphoreType.DMA,
        ],
    )
    def edge_aggr(m_hbm, src_hbm, dst_hbm, zeros_hbm, out_hbm,
                  siA, siB, didx, rows0, rows1, acc, g0, g1, isA, isB):
        c = lax.axis_index("c")
        s = lax.axis_index("s")
        wid = s * _NC + c
        base = wid * epw
        pltpu.sync_copy(zeros_hbm, acc.at[pl.ds(s * rpt, rpt)])
        pltpu.sync_copy(dst_hbm.at[wid], didx)
        plsc.subcore_barrier()

        def iload(j, buf, sem):
            pltpu.async_copy(src_hbm.at[pl.ds(base + j * _CH, _CH)], buf, sem)

        iload(0, siA, isA)
        iload(1, siB, isB)
        pltpu.make_async_copy(src_hbm.at[pl.ds(base, _CH)], siA, isA).wait()
        pltpu.async_copy(m_hbm.at[siA], rows0, g0)

        def body(t, carry):
            j0 = 2 * t
            pltpu.make_async_copy(src_hbm.at[pl.ds(base, _CH)], siB, isB).wait()
            pltpu.async_copy(m_hbm.at[siB], rows1, g1)
            pltpu.make_async_copy(m_hbm.at[siA], rows0, g0).wait()
            iload(j0 + 2, siA, isA)
            pltpu.sync_copy(rows0, acc.at[didx.at[j0]], add=True)
            pltpu.make_async_copy(src_hbm.at[pl.ds(base, _CH)], siA, isA).wait()
            pltpu.async_copy(m_hbm.at[siA], rows0, g0)
            pltpu.make_async_copy(m_hbm.at[siB], rows1, g1).wait()
            iload(jnp.minimum(j0 + 3, nch - 1), siB, isB)
            pltpu.sync_copy(rows1, acc.at[didx.at[j0 + 1]], add=True)
            return carry

        lax.fori_loop(0, (nch - 1) // 2, body, 0)
        pltpu.make_async_copy(src_hbm.at[pl.ds(base, _CH)], siB, isB).wait()
        pltpu.make_async_copy(m_hbm.at[siA], rows0, g0).wait()
        pltpu.sync_copy(rows0, acc.at[didx.at[nch - 1]], add=True)
        plsc.subcore_barrier()
        pltpu.sync_copy(acc.at[pl.ds(s * rpt, rpt)],
                        out_hbm.at[c, pl.ds(s * rpt, rpt)])

    return edge_aggr



def kernel(x, edge_index, W_in, b_in, W_msg1, b_msg1, W_upd1, b_upd1,
           W_msg2, b_msg2, W_upd2, b_upd2, W_out, b_out):
    n, d = x.shape
    h = W_in.shape[1]
    e = edge_index.shape[1]
    br = 2000
    grid = (n // br,)

    npad = -(-n // (8 * _NS)) * (8 * _NS)
    src = edge_index[0].astype(jnp.int32)
    dst = edge_index[1].astype(jnp.int32).reshape(_NW, e // _NW // _CH, _CH)
    zeros = jnp.zeros((npad // _NS, h), jnp.float32)

    bi = b_in.reshape(1, h)
    bm1 = b_msg1.reshape(1, h)
    bu1 = b_upd1.reshape(1, h)
    bm2 = b_msg2.reshape(1, h)
    bu2 = b_upd2.reshape(1, h)
    bo = b_out.reshape(1, 1)

    edge_aggr = _make_edge_aggr(npad, e, h)
    p_spec0 = pl.BlockSpec((1, br, h), lambda i: (0, i, 0))
    p_spec1 = pl.BlockSpec((1, br, h), lambda i: (1, i, 0))

    h0, m1 = pl.pallas_call(
        _in_msg_body,
        grid=grid,
        in_specs=[_row_spec(br, d), _full_spec(d, h), _full_spec(1, h),
                  _full_spec(h, h), _full_spec(1, h)],
        out_specs=[_row_spec(br, h), _row_spec(br, h)],
        out_shape=[jax.ShapeDtypeStruct((n, h), jnp.float32),
                   jax.ShapeDtypeStruct((n, h), jnp.float32)],
    )(x, W_in, bi, W_msg1, bm1)

    p1 = edge_aggr(m1, src, dst, zeros)

    h1, m2 = pl.pallas_call(
        _upd_msg_body,
        grid=grid,
        in_specs=[_row_spec(br, h), p_spec0, p_spec1,
                  _full_spec(2 * h, h), _full_spec(1, h),
                  _full_spec(h, h), _full_spec(1, h)],
        out_specs=[_row_spec(br, h), _row_spec(br, h)],
        out_shape=[jax.ShapeDtypeStruct((n, h), jnp.float32),
                   jax.ShapeDtypeStruct((n, h), jnp.float32)],
    )(h0, p1, p1, W_upd1, bu1, W_msg2, bm2)

    p2 = edge_aggr(m2, src, dst, zeros)

    out = pl.pallas_call(
        _upd_out_body,
        grid=grid,
        in_specs=[_row_spec(br, h), p_spec0, p_spec1,
                  _full_spec(2 * h, h), _full_spec(1, h),
                  _full_spec(h, 1), _full_spec(1, 1)],
        out_specs=_row_spec(br, 1),
        out_shape=jax.ShapeDtypeStruct((n, 1), jnp.float32),
    )(h1, p2, p2, W_upd2, bu2, W_out, bo)

    return out.reshape(n)

# --- scband reference (transcript-rebuilt; emitter-appended) ---
"""Pipeline reference for scband-mpnnreg-33406255628688 (READ-ONLY COPY).

The authoritative reference and input builder live on the scoring server;
editing this copy changes nothing except your own understanding.
"""

import jax, jax.numpy as jnp
import numpy as np

N = 10000
E = 320000
D = 128
H = 128

def setup_inputs(seed: int = 0) -> dict:
    key = jax.random.key(seed)
    ks = jax.random.split(key, 16)
    x = jax.random.normal(ks[0], (N, D), dtype=jnp.float32)
    edge_index = jax.random.randint(ks[1], (2, E), 0, N, dtype=jnp.int64)
    s = 1.0 / np.sqrt(D)
    W_in = jax.random.uniform(ks[2], (D, H), jnp.float32, -s, s)
    b_in = jax.random.uniform(ks[3], (H,), jnp.float32, -s, s)
    sh = 1.0 / np.sqrt(H)
    s2h = 1.0 / np.sqrt(2 * H)
    W_msg1 = jax.random.uniform(ks[4], (H, H), jnp.float32, -sh, sh)
    b_msg1 = jax.random.uniform(ks[5], (H,), jnp.float32, -sh, sh)
    W_upd1 = jax.random.uniform(ks[6], (2 * H, H), jnp.float32, -s2h, s2h)
    b_upd1 = jax.random.uniform(ks[7], (H,), jnp.float32, -s2h, s2h)
    W_msg2 = jax.random.uniform(ks[8], (H, H), jnp.float32, -sh, sh)
    b_msg2 = jax.random.uniform(ks[9], (H,), jnp.float32, -sh, sh)
    W_upd2 = jax.random.uniform(ks[10], (2 * H, H), jnp.float32, -s2h, s2h)
    b_upd2 = jax.random.uniform(ks[11], (H,), jnp.float32, -s2h, s2h)
    W_out = jax.random.uniform(ks[12], (H, 1), jnp.float32, -sh, sh)
    b_out = jax.random.uniform(ks[13], (1,), jnp.float32, -sh, sh)
    return {"x": x, "edge_index": edge_index,
            "W_in": W_in, "b_in": b_in,
            "W_msg1": W_msg1, "b_msg1": b_msg1, "W_upd1": W_upd1, "b_upd1": b_upd1,
            "W_msg2": W_msg2, "b_msg2": b_msg2, "W_upd2": W_upd2, "b_upd2": b_upd2,
            "W_out": W_out, "b_out": b_out}

def _mpnn_layer(h, src, dst, W_msg, b_msg, W_upd, b_upd):
    # message: relu(Linear(x_j)) where x_j = h[src]
    msg = jax.nn.relu(h[src] @ W_msg + b_msg)
    # aggregate: scatter-add into dst nodes
    aggr = jax.ops.segment_sum(msg, dst, num_segments=N)
    # update: relu(Linear(cat([x, aggr])))
    return jax.nn.relu(jnp.concatenate([h, aggr], axis=-1) @ W_upd + b_upd)

def reference(x, edge_index, W_in, b_in, W_msg1, b_msg1, W_upd1, b_upd1,
              W_msg2, b_msg2, W_upd2, b_upd2, W_out, b_out):
    src = edge_index[0]
    dst = edge_index[1]
    h = jax.nn.relu(x @ W_in + b_in)
    h = _mpnn_layer(h, src, dst, W_msg1, b_msg1, W_upd1, b_upd1)
    h = _mpnn_layer(h, src, dst, W_msg2, b_msg2, W_upd2, b_upd2)
    out = h @ W_out + b_out
    return out.squeeze(-1)

if __name__ == "__main__":
    import jax
    _d = setup_inputs()
    print(jax.jit(kernel)(*tuple(_d.values())))

</pallas_src>

<mosaic_0001>
#map = affine_map<(d0, d1) -> (0, 0)>
#map1 = affine_map<(d0, d1) -> (0)>
#map2 = affine_map<(d0, d1) -> (0, 0, 0)>
module attributes {stable_mosaic.version = 14 : i64} {
  func.func @edge_aggr(%arg0: i32, %arg1: i32, %arg2: memref<10000x128xf32, #tpu.memory_space<hbm>>, %arg3: memref<320000xi32, #tpu.memory_space<hbm>>, %arg4: memref<32x125x80xi32, #tpu.memory_space<hbm>>, %arg5: memref<632x128xf32, #tpu.memory_space<hbm>>, %arg6: memref<2x10112x128xf32, #tpu.memory_space<hbm>>, %arg7: memref<80xi32, #tpu.memory_space<vmem>>, %arg8: memref<80xi32, #tpu.memory_space<vmem>>, %arg9: memref<125x80xi32, #tpu.memory_space<vmem>>, %arg10: memref<80x128xf32, #tpu.memory_space<vmem>>, %arg11: memref<80x128xf32, #tpu.memory_space<vmem>>, %arg12: memref<10112x128xf32, #tpu.memory_space<vmem_shared>>, %arg13: memref<!tpu.dma_semaphore, #tpu.memory_space<semaphore_mem>>, %arg14: memref<!tpu.dma_semaphore, #tpu.memory_space<semaphore_mem>>, %arg15: memref<!tpu.dma_semaphore, #tpu.memory_space<semaphore_mem>>, %arg16: memref<!tpu.dma_semaphore, #tpu.memory_space<semaphore_mem>>) attributes {dimension_semantics = [#tpu.dimension_semantics<core_parallel>, #tpu.dimension_semantics<subcore_parallel>], iteration_bounds = array<i64: 2, 16>, scalar_prefetch = 0 : i64, scratch_operands = 10 : i64, tpu.core_type = #tpu.core_type<sc_vector_subcore>, window_params = [{transform_indices = #map}, {transform_indices = #map1}, {transform_indices = #map2}, {transform_indices = #map}, {transform_indices = #map2}]} {
    %mul3A = arith.constant 2 : i32
    %mul3A_0 = arith.muli %arg1, %mul3A : i32
    %add3A = arith.addi %mul3A_0, %arg0 : i32
    %mul3A_1 = arith.constant 10000 : i32
    %mul3A_2 = arith.muli %add3A, %mul3A_1 : i32
    %mul3A_3 = arith.constant 632 : i32
    %mul3A_4 = arith.muli %arg1, %mul3A_3 : i32
    "tpu.region"() ({
      %run_scoped3A_31 = tpu.sem_alloc : memref<!tpu.dma_semaphore, #tpu.memory_space<semaphore_mem>>
      %dma_start3A_32 = arith.constant 0 : i32
      %dma_start3A_33 = tpu.memref_slice %arg12[%mul3A_4, %dma_start3A_32] : memref<10112x128xf32, #tpu.memory_space<vmem_shared>> -> memref<632x128xf32, #tpu.memory_space<vmem_shared>>
      tpu.enqueue_dma source(%arg5 : memref<632x128xf32, #tpu.memory_space<hbm>>) target(%dma_start3A_33 : memref<632x128xf32, #tpu.memory_space<vmem_shared>>) target_semaphore(%run_scoped3A_31 : memref<!tpu.dma_semaphore, #tpu.memory_space<semaphore_mem>>)
      %dma_wait3A_34 = arith.constant 0 : i32
      %dma_wait3A_35 = tpu.memref_slice %arg12[%mul3A_4, %dma_wait3A_34] : memref<10112x128xf32, #tpu.memory_space<vmem_shared>> -> memref<632x128xf32, #tpu.memory_space<vmem_shared>>
      tpu.wait_dma2 semaphore(%run_scoped3A_31 : memref<!tpu.dma_semaphore, #tpu.memory_space<semaphore_mem>>) src(%arg5 : memref<632x128xf32, #tpu.memory_space<hbm>>) dst(%dma_wait3A_35 : memref<632x128xf32, #tpu.memory_space<vmem_shared>>)
      tpu.yield
    }) : () -> ()
    "tpu.region"() ({
      %run_scoped3A_31 = tpu.sem_alloc : memref<!tpu.dma_semaphore, #tpu.memory_space<semaphore_mem>>
      %dma_start3A_32 = arith.constant 0 : i32
      %dma_start3A_33 = arith.constant 0 : i32
      %dma_start3A_34 = tpu.memref_slice %arg4[%add3A, %dma_start3A_32, %dma_start3A_33] : memref<32x125x80xi32, #tpu.memory_space<hbm>> -> memref<1x125x80xi32, #tpu.memory_space<hbm>>
      %dma_start3A_35 = tpu.memref_squeeze %dma_start3A_34 : memref<1x125x80xi32, #tpu.memory_space<hbm>> -> memref<125x80xi32, #tpu.memory_space<hbm>>
      %dma_start3A_36 = arith.constant 0 : i32
      %dma_start3A_37 = arith.constant 0 : i32
      %dma_start3A_38 = tpu.memref_slice %arg4[%add3A, %dma_start3A_36, %dma_start3A_37] : memref<32x125x80xi32, #tpu.memory_space<hbm>> -> memref<1x125x80xi32, #tpu.memory_space<hbm>>
      %dma_start3A_39 = tpu.memref_squeeze %dma_start3A_38 : memref<1x125x80xi32, #tpu.memory_space<hbm>> -> memref<125x80xi32, #tpu.memory_space<hbm>>
      tpu.enqueue_dma source(%dma_start3A_39 : memref<125x80xi32, #tpu.memory_space<hbm>>) target(%arg9 : memref<125x80xi32, #tpu.memory_space<vmem>>) target_semaphore(%run_scoped3A_31 : memref<!tpu.dma_semaphore, #tpu.memory_space<semaphore_mem>>)
      %dma_wait3A_40 = arith.constant 0 : i32
      %dma_wait3A_41 = arith.constant 0 : i32
      %dma_wait3A_42 = tpu.memref_slice %arg4[%add3A, %dma_wait3A_40, %dma_wait3A_41] : memref<32x125x80xi32, #tpu.memory_space<hbm>> -> memref<1x125x80xi32, #tpu.memory_space<hbm>>
      %dma_wait3A_43 = tpu.memref_squeeze %dma_wait3A_42 : memref<1x125x80xi32, #tpu.memory_space<hbm>> -> memref<125x80xi32, #tpu.memory_space<hbm>>
      %dma_wait3A_44 = arith.constant 0 : i32
      %dma_wait3A_45 = arith.constant 0 : i32
      %dma_wait3A_46 = tpu.memref_slice %arg4[%add3A, %dma_wait3A_44, %dma_wait3A_45] : memref<32x125x80xi32, #tpu.memory_space<hbm>> -> memref<1x125x80xi32, #tpu.memory_space<hbm>>
      %dma_wait3A_47 = tpu.memref_squeeze %dma_wait3A_46 : memref<1x125x80xi32, #tpu.memory_space<hbm>> -> memref<125x80xi32, #tpu.memory_space<hbm>>
      tpu.wait_dma2 semaphore(%run_scoped3A_31 : memref<!tpu.dma_semaphore, #tpu.memory_space<semaphore_mem>>) src(%dma_wait3A_47 : memref<125x80xi32, #tpu.memory_space<hbm>>) dst(%arg9 : memref<125x80xi32, #tpu.memory_space<vmem>>)
      tpu.yield
    }) : () -> ()
    %barrier3A = arith.constant 0 : index
    tpu.barrier barrier_id(%barrier3A)
    %add3A_5 = arith.constant 0 : i32
    %add3A_6 = arith.addi %mul3A_2, %add3A_5 : i32
    %dma_start3A = tpu.memref_slice %arg3[%add3A_6] : memref<320000xi32, #tpu.memory_space<hbm>> -> memref<80xi32, #tpu.memory_space<hbm>>
    %dma_start3A_7 = tpu.memref_slice %arg3[%add3A_6] : memref<320000xi32, #tpu.memory_space<hbm>> -> memref<80xi32, #tpu.memory_space<hbm>>
    tpu.enqueue_dma source(%dma_start3A_7 : memref<80xi32, #tpu.memory_space<hbm>>) target(%arg7 : memref<80xi32, #tpu.memory_space<vmem>>) target_semaphore(%arg15 : memref<!tpu.dma_semaphore, #tpu.memory_space<semaphore_mem>>)
    %add3A_8 = arith.constant 80 : i32
    %add3A_9 = arith.addi %mul3A_2, %add3A_8 : i32
    %dma_start3A_10 = tpu.memref_slice %arg3[%add3A_9] : memref<320000xi32, #tpu.memory_space<hbm>> -> memref<80xi32, #tpu.memory_space<hbm>>
    %dma_start3A_11 = tpu.memref_slice %arg3[%add3A_9] : memref<320000xi32, #tpu.memory_space<hbm>> -> memref<80xi32, #tpu.memory_space<hbm>>
    tpu.enqueue_dma source(%dma_start3A_11 : memref<80xi32, #tpu.memory_space<hbm>>) target(%arg8 : memref<80xi32, #tpu.memory_space<vmem>>) target_semaphore(%arg16 : memref<!tpu.dma_semaphore, #tpu.memory_space<semaphore_mem>>)
    %dma_wait3A = tpu.memref_slice %arg3[%mul3A_2] : memref<320000xi32, #tpu.memory_space<hbm>> -> memref<80xi32, #tpu.memory_space<hbm>>
    %dma_wait3A_12 = tpu.memref_slice %arg3[%mul3A_2] : memref<320000xi32, #tpu.memory_space<hbm>> -> memref<80xi32, #tpu.memory_space<hbm>>
    tpu.wait_dma2 semaphore(%arg15 : memref<!tpu.dma_semaphore, #tpu.memory_space<semaphore_mem>>) src(%dma_wait3A_12 : memref<80xi32, #tpu.memory_space<hbm>>) dst(%arg7 : memref<80xi32, #tpu.memory_space<vmem>>)
    %dma_start3A_13 = arith.constant 0 : i32
    %dma_start3A_14 = arith.constant 0 : i32
    %dma_start3A_15 = tpu.memref_slice %arg2[%dma_start3A_13, %dma_start3A_14] : memref<10000x128xf32, #tpu.memory_space<hbm>> -> memref<10000x128xf32, #tpu.memory_space<hbm>>
    tpu.enqueue_indirect_dma source(%dma_start3A_15 : memref<10000x128xf32, #tpu.memory_space<hbm>>) target(%arg10 : memref<80x128xf32, #tpu.memory_space<vmem>>) offsets(%arg7 : memref<80xi32, #tpu.memory_space<vmem>>) semaphore(%arg13 : memref<!tpu.dma_semaphore, #tpu.memory_space<semaphore_mem>>)
    %scan3A = arith.constant 0 : i32
    %scan3A_16 = arith.constant 0 : i32
    %scan3A_17 = arith.constant 62 : i32
    %scan3A_18 = arith.addi %scan3A_16, %scan3A_17 : i32
    %scan3A_19 = arith.constant 1 : i32
    scf.for %scan3A_31 = %scan3A_16 to %scan3A_18 step %scan3A_19  : i32 {
      %mul3A_32 = arith.constant 2 : i32
      %mul3A_33 = arith.muli %mul3A_32, %scan3A_31 : i32
      %dma_wait3A_34 = tpu.memref_slice %arg3[%mul3A_2] : memref<320000xi32, #tpu.memory_space<hbm>> -> memref<80xi32, #tpu.memory_space<hbm>>
      %dma_wait3A_35 = tpu.memref_slice %arg3[%mul3A_2] : memref<320000xi32, #tpu.memory_space<hbm>> -> memref<80xi32, #tpu.memory_space<hbm>>
      tpu.wait_dma2 semaphore(%arg16 : memref<!tpu.dma_semaphore, #tpu.memory_space<semaphore_mem>>) src(%dma_wait3A_35 : memref<80xi32, #tpu.memory_space<hbm>>) dst(%arg8 : memref<80xi32, #tpu.memory_space<vmem>>)
      %dma_start3A_36 = arith.constant 0 : i32
      %dma_start3A_37 = arith.constant 0 : i32
      %dma_start3A_38 = tpu.memref_slice %arg2[%dma_start3A_36, %dma_start3A_37] : memref<10000x128xf32, #tpu.memory_space<hbm>> -> memref<10000x128xf32, #tpu.memory_space<hbm>>
      tpu.enqueue_indirect_dma source(%dma_start3A_38 : memref<10000x128xf32, #tpu.memory_space<hbm>>) target(%arg11 : memref<80x128xf32, #tpu.memory_space<vmem>>) offsets(%arg8 : memref<80xi32, #tpu.memory_space<vmem>>) semaphore(%arg14 : memref<!tpu.dma_semaphore, #tpu.memory_space<semaphore_mem>>)
      %dma_wait3A_39 = arith.constant 0 : i32
      %dma_wait3A_40 = arith.constant 0 : i32
      %dma_wait3A_41 = tpu.memref_slice %arg2[%dma_wait3A_39, %dma_wait3A_40] : memref<10000x128xf32, #tpu.memory_space<hbm>> -> memref<10000x128xf32, #tpu.memory_space<hbm>>
      tpu.wait_indirect_dma semaphore(%arg13 : memref<!tpu.dma_semaphore, #tpu.memory_space<semaphore_mem>>) src(%dma_wait3A_41 : memref<10000x128xf32, #tpu.memory_space<hbm>>) dst(%arg10 : memref<80x128xf32, #tpu.memory_space<vmem>>)
      %add3A_42 = arith.constant 2 : i32
      %add3A_43 = arith.addi %mul3A_33, %add3A_42 : i32
      %mul3A_44 = arith.constant 80 : i32
      %mul3A_45 = arith.muli %add3A_43, %mul3A_44 : i32
      %add3A_46 = arith.addi %mul3A_2, %mul3A_45 : i32
      %dma_start3A_47 = tpu.memref_slice %arg3[%add3A_46] : memref<320000xi32, #tpu.memory_space<hbm>> -> memref<80xi32, #tpu.memory_space<hbm>>
      %dma_start3A_48 = tpu.memref_slice %arg3[%add3A_46] : memref<320000xi32, #tpu.memory_space<hbm>> -> memref<80xi32, #tpu.memory_space<hbm>>
      tpu.enqueue_dma source(%dma_start3A_48 : memref<80xi32, #tpu.memory_space<hbm>>) target(%arg7 : memref<80xi32, #tpu.memory_space<vmem>>) target_semaphore(%arg15 : memref<!tpu.dma_semaphore, #tpu.memory_space<semaphore_mem>>)
      "tpu.region"() ({
        %run_scoped3A_67 = tpu.sem_alloc : memref<!tpu.dma_semaphore, #tpu.memory_space<semaphore_mem>>
        %dma_start3A_68 = arith.constant 0 : i32
        %dma_start3A_69 = tpu.memref_slice %arg9[%mul3A_33, %dma_start3A_68] : memref<125x80xi32, #tpu.memory_space<vmem>> -> memref<1x80xi32, #tpu.memory_space<vmem>>
        %dma_start3A_70 = tpu.memref_squeeze %dma_start3A_69 : memref<1x80xi32, #tpu.memory_space<vmem>> -> memref<80xi32, #tpu.memory_space<vmem>>
        %dma_start3A_71 = arith.constant 0 : i32
        %dma_start3A_72 = arith.constant 0 : i32
        %dma_start3A_73 = tpu.memref_slice %arg12[%dma_start3A_71, %dma_start3A_72] : memref<10112x128xf32, #tpu.memory_space<vmem_shared>> -> memref<10112x128xf32, #tpu.memory_space<vmem_shared>>
        tpu.enqueue_indirect_dma source(%arg10 : memref<80x128xf32, #tpu.memory_space<vmem>>) target(%dma_start3A_73 : memref<10112x128xf32, #tpu.memory_space<vmem_shared>>) offsets(%dma_start3A_70 : memref<80xi32, #tpu.memory_space<vmem>>) semaphore(%run_scoped3A_67 : memref<!tpu.dma_semaphore, #tpu.memory_space<semaphore_mem>>) {add = true}
        %dma_wait3A_74 = arith.constant 0 : i32
        %dma_wait3A_75 = tpu.memref_slice %arg9[%mul3A_33, %dma_wait3A_74] : memref<125x80xi32, #tpu.memory_space<vmem>> -> memref<1x80xi32, #tpu.memory_space<vmem>>
        %dma_wait3A_76 = tpu.memref_squeeze %dma_wait3A_75 : memref<1x80xi32, #tpu.memory_space<vmem>> -> memref<80xi32, #tpu.memory_space<vmem>>
        %dma_wait3A_77 = arith.constant 0 : i32
        %dma_wait3A_78 = arith.constant 0 : i32
        %dma_wait3A_79 = tpu.memref_slice %arg12[%dma_wait3A_77, %dma_wait3A_78] : memref<10112x128xf32, #tpu.memory_space<vmem_shared>> -> memref<10112x128xf32, #tpu.memory_space<vmem_shared>>
        tpu.wait_indirect_dma semaphore(%run_scoped3A_67 : memref<!tpu.dma_semaphore, #tpu.memory_space<semaphore_mem>>) src(%arg10 : memref<80x128xf32, #tpu.memory_space<vmem>>) dst(%dma_wait3A_79 : memref<10112x128xf32, #tpu.memory_space<vmem_shared>>)
        tpu.yield
      }) : () -> ()
      %dma_wait3A_49 = tpu.memref_slice %arg3[%mul3A_2] : memref<320000xi32, #tpu.memory_space<hbm>> -> memref<80xi32, #tpu.memory_space<hbm>>
      %dma_wait3A_50 = tpu.memref_slice %arg3[%mul3A_2] : memref<320000xi32, #tpu.memory_space<hbm>> -> memref<80xi32, #tpu.memory_space<hbm>>
      tpu.wait_dma2 semaphore(%arg15 : memref<!tpu.dma_semaphore, #tpu.memory_space<semaphore_mem>>) src(%dma_wait3A_50 : memref<80xi32, #tpu.memory_space<hbm>>) dst(%arg7 : memref<80xi32, #tpu.memory_space<vmem>>)
      %dma_start3A_51 = arith.constant 0 : i32
      %dma_start3A_52 = arith.constant 0 : i32
      %dma_start3A_53 = tpu.memref_slice %arg2[%dma_start3A_51, %dma_start3A_52] : memref<10000x128xf32, #tpu.memory_space<hbm>> -> memref<10000x128xf32, #tpu.memory_space<hbm>>
      tpu.enqueue_indirect_dma source(%dma_start3A_53 : memref<10000x128xf32, #tpu.memory_space<hbm>>) target(%arg10 : memref<80x128xf32, #tpu.memory_space<vmem>>) offsets(%arg7 : memref<80xi32, #tpu.memory_space<vmem>>) semaphore(%arg13 : memref<!tpu.dma_semaphore, #tpu.memory_space<semaphore_mem>>)
      %dma_wait3A_54 = arith.constant 0 : i32
      %dma_wait3A_55 = arith.constant 0 : i32
      %dma_wait3A_56 = tpu.memref_slice %arg2[%dma_wait3A_54, %dma_wait3A_55] : memref<10000x128xf32, #tpu.memory_space<hbm>> -> memref<10000x128xf32, #tpu.memory_space<hbm>>
      tpu.wait_indirect_dma semaphore(%arg14 : memref<!tpu.dma_semaphore, #tpu.memory_space<semaphore_mem>>) src(%dma_wait3A_56 : memref<10000x128xf32, #tpu.memory_space<hbm>>) dst(%arg11 : memref<80x128xf32, #tpu.memory_space<vmem>>)
      %add3A_57 = arith.constant 3 : i32
      %add3A_58 = arith.addi %mul3A_33, %add3A_57 : i32
      %min3A = arith.constant 124 : i32
      %min3A_59 = arith.minsi %add3A_58, %min3A : i32
      %mul3A_60 = arith.constant 80 : i32
      %mul3A_61 = arith.muli %min3A_59, %mul3A_60 : i32
      %add3A_62 = arith.addi %mul3A_2, %mul3A_61 : i32
      %dma_start3A_63 = tpu.memref_slice %arg3[%add3A_62] : memref<320000xi32, #tpu.memory_space<hbm>> -> memref<80xi32, #tpu.memory_space<hbm>>
      %dma_start3A_64 = tpu.memref_slice %arg3[%add3A_62] : memref<320000xi32, #tpu.memory_space<hbm>> -> memref<80xi32, #tpu.memory_space<hbm>>
      tpu.enqueue_dma source(%dma_start3A_64 : memref<80xi32, #tpu.memory_space<hbm>>) target(%arg8 : memref<80xi32, #tpu.memory_space<vmem>>) target_semaphore(%arg16 : memref<!tpu.dma_semaphore, #tpu.memory_space<semaphore_mem>>)
      %add3A_65 = arith.constant 1 : i32
      %add3A_66 = arith.addi %mul3A_33, %add3A_65 : i32
      "tpu.region"() ({
        %run_scoped3A_67 = tpu.sem_alloc : memref<!tpu.dma_semaphore, #tpu.memory_space<semaphore_mem>>
        %dma_start3A_68 = arith.constant 0 : i32
        %dma_start3A_69 = tpu.memref_slice %arg9[%add3A_66, %dma_start3A_68] : memref<125x80xi32, #tpu.memory_space<vmem>> -> memref<1x80xi32, #tpu.memory_space<vmem>>
        %dma_start3A_70 = tpu.memref_squeeze %dma_start3A_69 : memref<1x80xi32, #tpu.memory_space<vmem>> -> memref<80xi32, #tpu.memory_space<vmem>>
        %dma_start3A_71 = arith.constant 0 : i32
        %dma_start3A_72 = arith.constant 0 : i32
        %dma_start3A_73 = tpu.memref_slice %arg12[%dma_start3A_71, %dma_start3A_72] : memref<10112x128xf32, #tpu.memory_space<vmem_shared>> -> memref<10112x128xf32, #tpu.memory_space<vmem_shared>>
        tpu.enqueue_indirect_dma source(%arg11 : memref<80x128xf32, #tpu.memory_space<vmem>>) target(%dma_start3A_73 : memref<10112x128xf32, #tpu.memory_space<vmem_shared>>) offsets(%dma_start3A_70 : memref<80xi32, #tpu.memory_space<vmem>>) semaphore(%run_scoped3A_67 : memref<!tpu.dma_semaphore, #tpu.memory_space<semaphore_mem>>) {add = true}
        %dma_wait3A_74 = arith.constant 0 : i32
        %dma_wait3A_75 = tpu.memref_slice %arg9[%add3A_66, %dma_wait3A_74] : memref<125x80xi32, #tpu.memory_space<vmem>> -> memref<1x80xi32, #tpu.memory_space<vmem>>
        %dma_wait3A_76 = tpu.memref_squeeze %dma_wait3A_75 : memref<1x80xi32, #tpu.memory_space<vmem>> -> memref<80xi32, #tpu.memory_space<vmem>>
        %dma_wait3A_77 = arith.constant 0 : i32
        %dma_wait3A_78 = arith.constant 0 : i32
        %dma_wait3A_79 = tpu.memref_slice %arg12[%dma_wait3A_77, %dma_wait3A_78] : memref<10112x128xf32, #tpu.memory_space<vmem_shared>> -> memref<10112x128xf32, #tpu.memory_space<vmem_shared>>
        tpu.wait_indirect_dma semaphore(%run_scoped3A_67 : memref<!tpu.dma_semaphore, #tpu.memory_space<semaphore_mem>>) src(%arg11 : memref<80x128xf32, #tpu.memory_space<vmem>>) dst(%dma_wait3A_79 : memref<10112x128xf32, #tpu.memory_space<vmem_shared>>)
        tpu.yield
      }) : () -> ()
    }
    %scan3A_20 = arith.constant 62 : i32
    %dma_wait3A_21 = tpu.memref_slice %arg3[%mul3A_2] : memref<320000xi32, #tpu.memory_space<hbm>> -> memref<80xi32, #tpu.memory_space<hbm>>
    %dma_wait3A_22 = tpu.memref_slice %arg3[%mul3A_2] : memref<320000xi32, #tpu.memory_space<hbm>> -> memref<80xi32, #tpu.memory_space<hbm>>
    tpu.wait_dma2 semaphore(%arg16 : memref<!tpu.dma_semaphore, #tpu.memory_space<semaphore_mem>>) src(%dma_wait3A_22 : memref<80xi32, #tpu.memory_space<hbm>>) dst(%arg8 : memref<80xi32, #tpu.memory_space<vmem>>)
    %dma_wait3A_23 = arith.constant 0 : i32
    %dma_wait3A_24 = arith.constant 0 : i32
    %dma_wait3A_25 = tpu.memref_slice %arg2[%dma_wait3A_23, %dma_wait3A_24] : memref<10000x128xf32, #tpu.memory_space<hbm>> -> memref<10000x128xf32, #tpu.memory_space<hbm>>
    tpu.wait_indirect_dma semaphore(%arg13 : memref<!tpu.dma_semaphore, #tpu.memory_space<semaphore_mem>>) src(%dma_wait3A_25 : memref<10000x128xf32, #tpu.memory_space<hbm>>) dst(%arg10 : memref<80x128xf32, #tpu.memory_space<vmem>>)
    %run_scoped3A = arith.constant 124 : i32
    "tpu.region"() ({
      %run_scoped3A_31 = tpu.sem_alloc : memref<!tpu.dma_semaphore, #tpu.memory_space<semaphore_mem>>
      %dma_start3A_32 = arith.constant 0 : i32
      %dma_start3A_33 = tpu.memref_slice %arg9[%run_scoped3A, %dma_start3A_32] : memref<125x80xi32, #tpu.memory_space<vmem>> -> memref<1x80xi32, #tpu.memory_space<vmem>>
      %dma_start3A_34 = tpu.memref_squeeze %dma_start3A_33 : memref<1x80xi32, #tpu.memory_space<vmem>> -> memref<80xi32, #tpu.memory_space<vmem>>
      %dma_start3A_35 = arith.constant 0 : i32
      %dma_start3A_36 = arith.constant 0 : i32
      %dma_start3A_37 = tpu.memref_slice %arg12[%dma_start3A_35, %dma_start3A_36] : memref<10112x128xf32, #tpu.memory_space<vmem_shared>> -> memref<10112x128xf32, #tpu.memory_space<vmem_shared>>
      tpu.enqueue_indirect_dma source(%arg10 : memref<80x128xf32, #tpu.memory_space<vmem>>) target(%dma_start3A_37 : memref<10112x128xf32, #tpu.memory_space<vmem_shared>>) offsets(%dma_start3A_34 : memref<80xi32, #tpu.memory_space<vmem>>) semaphore(%run_scoped3A_31 : memref<!tpu.dma_semaphore, #tpu.memory_space<semaphore_mem>>) {add = true}
      %dma_wait3A_38 = arith.constant 0 : i32
      %dma_wait3A_39 = tpu.memref_slice %arg9[%run_scoped3A, %dma_wait3A_38] : memref<125x80xi32, #tpu.memory_space<vmem>> -> memref<1x80xi32, #tpu.memory_space<vmem>>
      %dma_wait3A_40 = tpu.memref_squeeze %dma_wait3A_39 : memref<1x80xi32, #tpu.memory_space<vmem>> -> memref<80xi32, #tpu.memory_space<vmem>>
      %dma_wait3A_41 = arith.constant 0 : i32
      %dma_wait3A_42 = arith.constant 0 : i32
      %dma_wait3A_43 = tpu.memref_slice %arg12[%dma_wait3A_41, %dma_wait3A_42] : memref<10112x128xf32, #tpu.memory_space<vmem_shared>> -> memref<10112x128xf32, #tpu.memory_space<vmem_shared>>
      tpu.wait_indirect_dma semaphore(%run_scoped3A_31 : memref<!tpu.dma_semaphore, #tpu.memory_space<semaphore_mem>>) src(%arg10 : memref<80x128xf32, #tpu.memory_space<vmem>>) dst(%dma_wait3A_43 : memref<10112x128xf32, #tpu.memory_space<vmem_shared>>)
      tpu.yield
    }) : () -> ()
    %barrier3A_26 = arith.constant 0 : index
    tpu.barrier barrier_id(%barrier3A_26)
    %mul3A_27 = arith.constant 632 : i32
    %mul3A_28 = arith.muli %arg1, %mul3A_27 : i32
    %mul3A_29 = arith.constant 632 : i32
    %mul3A_30 = arith.muli %arg1, %mul3A_29 : i32
    "tpu.region"() ({
      %run_scoped3A_31 = tpu.sem_alloc : memref<!tpu.dma_semaphore, #tpu.memory_space<semaphore_mem>>
      %dma_start3A_32 = arith.constant 0 : i32
      %dma_start3A_33 = tpu.memref_slice %arg6[%arg0, %mul3A_30, %dma_start3A_32] : memref<2x10112x128xf32, #tpu.memory_space<hbm>> -> memref<1x632x128xf32, #tpu.memory_space<hbm>>
      %dma_start3A_34 = tpu.memref_squeeze %dma_start3A_33 : memref<1x632x128xf32, #tpu.memory_space<hbm>> -> memref<632x128xf32, #tpu.memory_space<hbm>>
      %dma_start3A_35 = arith.constant 0 : i32
      %dma_start3A_36 = tpu.memref_slice %arg12[%mul3A_28, %dma_start3A_35] : memref<10112x128xf32, #tpu.memory_space<vmem_shared>> -> memref<632x128xf32, #tpu.memory_space<vmem_shared>>
      tpu.enqueue_dma source(%dma_start3A_36 : memref<632x128xf32, #tpu.memory_space<vmem_shared>>) target(%dma_start3A_34 : memref<632x128xf32, #tpu.memory_space<hbm>>) target_semaphore(%run_scoped3A_31 : memref<!tpu.dma_semaphore, #tpu.memory_space<semaphore_mem>>)
      %dma_wait3A_37 = arith.constant 0 : i32
      %dma_wait3A_38 = tpu.memref_slice %arg6[%arg0, %mul3A_30, %dma_wait3A_37] : memref<2x10112x128xf32, #tpu.memory_space<hbm>> -> memref<1x632x128xf32, #tpu.memory_space<hbm>>
      %dma_wait3A_39 = tpu.memref_squeeze %dma_wait3A_38 : memref<1x632x128xf32, #tpu.memory_space<hbm>> -> memref<632x128xf32, #tpu.memory_space<hbm>>
      %dma_wait3A_40 = arith.constant 0 : i32
      %dma_wait3A_41 = tpu.memref_slice %arg12[%mul3A_28, %dma_wait3A_40] : memref<10112x128xf32, #tpu.memory_space<vmem_shared>> -> memref<632x128xf32, #tpu.memory_space<vmem_shared>>
      tpu.wait_dma2 semaphore(%run_scoped3A_31 : memref<!tpu.dma_semaphore, #tpu.memory_space<semaphore_mem>>) src(%dma_wait3A_41 : memref<632x128xf32, #tpu.memory_space<vmem_shared>>) dst(%dma_wait3A_39 : memref<632x128xf32, #tpu.memory_space<hbm>>)
      tpu.yield
    }) : () -> ()
    return
  }
}

#map = affine_map<(d0, d1) -> (0, 0)>
#map1 = affine_map<(d0, d1) -> (0)>
#map2 = affine_map<(d0, d1) -> (0, 0, 0)>
module attributes {stable_mosaic.version = 14 : i64} {
  func.func @edge_aggr(%arg0: i32, %arg1: i32, %arg2: memref<10000x128xf32, #tpu.memory_space<hbm>>, %arg3: memref<320000xi32, #tpu.memory_space<hbm>>, %arg4: memref<32x125x80xi32, #tpu.memory_space<hbm>>, %arg5: memref<632x128xf32, #tpu.memory_space<hbm>>, %arg6: memref<2x10112x128xf32, #tpu.memory_space<hbm>>, %arg7: memref<80xi32, #tpu.memory_space<vmem>>, %arg8: memref<80xi32, #tpu.memory_space<vmem>>, %arg9: memref<125x80xi32, #tpu.memory_space<vmem>>, %arg10: memref<80x128xf32, #tpu.memory_space<vmem>>, %arg11: memref<80x128xf32, #tpu.memory_space<vmem>>, %arg12: memref<10112x128xf32, #tpu.memory_space<vmem_shared>>, %arg13: memref<!tpu.dma_semaphore, #tpu.memory_space<semaphore_mem>>, %arg14: memref<!tpu.dma_semaphore, #tpu.memory_space<semaphore_mem>>, %arg15: memref<!tpu.dma_semaphore, #tpu.memory_space<semaphore_mem>>, %arg16: memref<!tpu.dma_semaphore, #tpu.memory_space<semaphore_mem>>) attributes {dimension_semantics = [#tpu.dimension_semantics<core_parallel>, #tpu.dimension_semantics<subcore_parallel>], iteration_bounds = array<i64: 2, 16>, scalar_prefetch = 0 : i64, scratch_operands = 10 : i64, tpu.core_type = #tpu.core_type<sc_vector_subcore>, window_params = [{transform_indices = #map}, {transform_indices = #map1}, {transform_indices = #map2}, {transform_indices = #map}, {transform_indices = #map2}]} {
    %mul3A = arith.constant 2 : i32
    %mul3A_0 = arith.muli %arg1, %mul3A : i32
    %add3A = arith.addi %mul3A_0, %arg0 : i32
    %mul3A_1 = arith.constant 10000 : i32
    %mul3A_2 = arith.muli %add3A, %mul3A_1 : i32
    %mul3A_3 = arith.constant 632 : i32
    %mul3A_4 = arith.muli %arg1, %mul3A_3 : i32
    "tpu.region"() ({
      %run_scoped3A_31 = tpu.sem_alloc : memref<!tpu.dma_semaphore, #tpu.memory_space<semaphore_mem>>
      %dma_start3A_32 = arith.constant 0 : i32
      %dma_start3A_33 = tpu.memref_slice %arg12[%mul3A_4, %dma_start3A_32] : memref<10112x128xf32, #tpu.memory_space<vmem_shared>> -> memref<632x128xf32, #tpu.memory_space<vmem_shared>>
      tpu.enqueue_dma source(%arg5 : memref<632x128xf32, #tpu.memory_space<hbm>>) target(%dma_start3A_33 : memref<632x128xf32, #tpu.memory_space<vmem_shared>>) target_semaphore(%run_scoped3A_31 : memref<!tpu.dma_semaphore, #tpu.memory_space<semaphore_mem>>)
      %dma_wait3A_34 = arith.constant 0 : i32
      %dma_wait3A_35 = tpu.memref_slice %arg12[%mul3A_4, %dma_wait3A_34] : memref<10112x128xf32, #tpu.memory_space<vmem_shared>> -> memref<632x128xf32, #tpu.memory_space<vmem_shared>>
      tpu.wait_dma2 semaphore(%run_scoped3A_31 : memref<!tpu.dma_semaphore, #tpu.memory_space<semaphore_mem>>) src(%arg5 : memref<632x128xf32, #tpu.memory_space<hbm>>) dst(%dma_wait3A_35 : memref<632x128xf32, #tpu.memory_space<vmem_shared>>)
      tpu.yield
    }) : () -> ()
    "tpu.region"() ({
      %run_scoped3A_31 = tpu.sem_alloc : memref<!tpu.dma_semaphore, #tpu.memory_space<semaphore_mem>>
      %dma_start3A_32 = arith.constant 0 : i32
      %dma_start3A_33 = arith.constant 0 : i32
      %dma_start3A_34 = tpu.memref_slice %arg4[%add3A, %dma_start3A_32, %dma_start3A_33] : memref<32x125x80xi32, #tpu.memory_space<hbm>> -> memref<1x125x80xi32, #tpu.memory_space<hbm>>
      %dma_start3A_35 = tpu.memref_squeeze %dma_start3A_34 : memref<1x125x80xi32, #tpu.memory_space<hbm>> -> memref<125x80xi32, #tpu.memory_space<hbm>>
      %dma_start3A_36 = arith.constant 0 : i32
      %dma_start3A_37 = arith.constant 0 : i32
      %dma_start3A_38 = tpu.memref_slice %arg4[%add3A, %dma_start3A_36, %dma_start3A_37] : memref<32x125x80xi32, #tpu.memory_space<hbm>> -> memref<1x125x80xi32, #tpu.memory_space<hbm>>
      %dma_start3A_39 = tpu.memref_squeeze %dma_start3A_38 : memref<1x125x80xi32, #tpu.memory_space<hbm>> -> memref<125x80xi32, #tpu.memory_space<hbm>>
      tpu.enqueue_dma source(%dma_start3A_39 : memref<125x80xi32, #tpu.memory_space<hbm>>) target(%arg9 : memref<125x80xi32, #tpu.memory_space<vmem>>) target_semaphore(%run_scoped3A_31 : memref<!tpu.dma_semaphore, #tpu.memory_space<semaphore_mem>>)
      %dma_wait3A_40 = arith.constant 0 : i32
      %dma_wait3A_41 = arith.constant 0 : i32
      %dma_wait3A_42 = tpu.memref_slice %arg4[%add3A, %dma_wait3A_40, %dma_wait3A_41] : memref<32x125x80xi32, #tpu.memory_space<hbm>> -> memref<1x125x80xi32, #tpu.memory_space<hbm>>
      %dma_wait3A_43 = tpu.memref_squeeze %dma_wait3A_42 : memref<1x125x80xi32, #tpu.memory_space<hbm>> -> memref<125x80xi32, #tpu.memory_space<hbm>>
      %dma_wait3A_44 = arith.constant 0 : i32
      %dma_wait3A_45 = arith.constant 0 : i32
      %dma_wait3A_46 = tpu.memref_slice %arg4[%add3A, %dma_wait3A_44, %dma_wait3A_45] : memref<32x125x80xi32, #tpu.memory_space<hbm>> -> memref<1x125x80xi32, #tpu.memory_space<hbm>>
      %dma_wait3A_47 = tpu.memref_squeeze %dma_wait3A_46 : memref<1x125x80xi32, #tpu.memory_space<hbm>> -> memref<125x80xi32, #tpu.memory_space<hbm>>
      tpu.wait_dma2 semaphore(%run_scoped3A_31 : memref<!tpu.dma_semaphore, #tpu.memory_space<semaphore_mem>>) src(%dma_wait3A_47 : memref<125x80xi32, #tpu.memory_space<hbm>>) dst(%arg9 : memref<125x80xi32, #tpu.memory_space<vmem>>)
      tpu.yield
    }) : () -> ()
    %barrier3A = arith.constant 0 : index
    tpu.barrier barrier_id(%barrier3A)
    %add3A_5 = arith.constant 0 : i32
    %add3A_6 = arith.addi %mul3A_2, %add3A_5 : i32
    %dma_start3A = tpu.memref_slice %arg3[%add3A_6] : memref<320000xi32, #tpu.memory_space<hbm>> -> memref<80xi32, #tpu.memory_space<hbm>>
    %dma_start3A_7 = tpu.memref_slice %arg3[%add3A_6] : memref<320000xi32, #tpu.memory_space<hbm>> -> memref<80xi32, #tpu.memory_space<hbm>>
    tpu.enqueue_dma source(%dma_start3A_7 : memref<80xi32, #tpu.memory_space<hbm>>) target(%arg7 : memref<80xi32, #tpu.memory_space<vmem>>) target_semaphore(%arg15 : memref<!tpu.dma_semaphore, #tpu.memory_space<semaphore_mem>>)
    %add3A_8 = arith.constant 80 : i32
    %add3A_9 = arith.addi %mul3A_2, %add3A_8 : i32
    %dma_start3A_10 = tpu.memref_slice %arg3[%add3A_9] : memref<320000xi32, #tpu.memory_space<hbm>> -> memref<80xi32, #tpu.memory_space<hbm>>
    %dma_start3A_11 = tpu.memref_slice %arg3[%add3A_9] : memref<320000xi32, #tpu.memory_space<hbm>> -> memref<80xi32, #tpu.memory_space<hbm>>
    tpu.enqueue_dma source(%dma_start3A_11 : memref<80xi32, #tpu.memory_space<hbm>>) target(%arg8 : memref<80xi32, #tpu.memory_space<vmem>>) target_semaphore(%arg16 : memref<!tpu.dma_semaphore, #tpu.memory_space<semaphore_mem>>)
    %dma_wait3A = tpu.memref_slice %arg3[%mul3A_2] : memref<320000xi32, #tpu.memory_space<hbm>> -> memref<80xi32, #tpu.memory_space<hbm>>
    %dma_wait3A_12 = tpu.memref_slice %arg3[%mul3A_2] : memref<320000xi32, #tpu.memory_space<hbm>> -> memref<80xi32, #tpu.memory_space<hbm>>
    tpu.wait_dma2 semaphore(%arg15 : memref<!tpu.dma_semaphore, #tpu.memory_space<semaphore_mem>>) src(%dma_wait3A_12 : memref<80xi32, #tpu.memory_space<hbm>>) dst(%arg7 : memref<80xi32, #tpu.memory_space<vmem>>)
    %dma_start3A_13 = arith.constant 0 : i32
    %dma_start3A_14 = arith.constant 0 : i32
    %dma_start3A_15 = tpu.memref_slice %arg2[%dma_start3A_13, %dma_start3A_14] : memref<10000x128xf32, #tpu.memory_space<hbm>> -> memref<10000x128xf32, #tpu.memory_space<hbm>>
    tpu.enqueue_indirect_dma source(%dma_start3A_15 : memref<10000x128xf32, #tpu.memory_space<hbm>>) target(%arg10 : memref<80x128xf32, #tpu.memory_space<vmem>>) offsets(%arg7 : memref<80xi32, #tpu.memory_space<vmem>>) semaphore(%arg13 : memref<!tpu.dma_semaphore, #tpu.memory_space<semaphore_mem>>)
    %scan3A = arith.constant 0 : i32
    %scan3A_16 = arith.constant 0 : i32
    %scan3A_17 = arith.constant 62 : i32
    %scan3A_18 = arith.addi %scan3A_16, %scan3A_17 : i32
    %scan3A_19 = arith.constant 1 : i32
    scf.for %scan3A_31 = %scan3A_16 to %scan3A_18 step %scan3A_19  : i32 {
      %mul3A_32 = arith.constant 2 : i32
      %mul3A_33 = arith.muli %mul3A_32, %scan3A_31 : i32
      %dma_wait3A_34 = tpu.memref_slice %arg3[%mul3A_2] : memref<320000xi32, #tpu.memory_space<hbm>> -> memref<80xi32, #tpu.memory_space<hbm>>
      %dma_wait3A_35 = tpu.memref_slice %arg3[%mul3A_2] : memref<320000xi32, #tpu.memory_space<hbm>> -> memref<80xi32, #tpu.memory_space<hbm>>
      tpu.wait_dma2 semaphore(%arg16 : memref<!tpu.dma_semaphore, #tpu.memory_space<semaphore_mem>>) src(%dma_wait3A_35 : memref<80xi32, #tpu.memory_space<hbm>>) dst(%arg8 : memref<80xi32, #tpu.memory_space<vmem>>)
      %dma_start3A_36 = arith.constant 0 : i32
      %dma_start3A_37 = arith.constant 0 : i32
      %dma_start3A_38 = tpu.memref_slice %arg2[%dma_start3A_36, %dma_start3A_37] : memref<10000x128xf32, #tpu.memory_space<hbm>> -> memref<10000x128xf32, #tpu.memory_space<hbm>>
      tpu.enqueue_indirect_dma source(%dma_start3A_38 : memref<10000x128xf32, #tpu.memory_space<hbm>>) target(%arg11 : memref<80x128xf32, #tpu.memory_space<vmem>>) offsets(%arg8 : memref<80xi32, #tpu.memory_space<vmem>>) semaphore(%arg14 : memref<!tpu.dma_semaphore, #tpu.memory_space<semaphore_mem>>)
      %dma_wait3A_39 = arith.constant 0 : i32
      %dma_wait3A_40 = arith.constant 0 : i32
      %dma_wait3A_41 = tpu.memref_slice %arg2[%dma_wait3A_39, %dma_wait3A_40] : memref<10000x128xf32, #tpu.memory_space<hbm>> -> memref<10000x128xf32, #tpu.memory_space<hbm>>
      tpu.wait_indirect_dma semaphore(%arg13 : memref<!tpu.dma_semaphore, #tpu.memory_space<semaphore_mem>>) src(%dma_wait3A_41 : memref<10000x128xf32, #tpu.memory_space<hbm>>) dst(%arg10 : memref<80x128xf32, #tpu.memory_space<vmem>>)
      %add3A_42 = arith.constant 2 : i32
      %add3A_43 = arith.addi %mul3A_33, %add3A_42 : i32
      %mul3A_44 = arith.constant 80 : i32
      %mul3A_45 = arith.muli %add3A_43, %mul3A_44 : i32
      %add3A_46 = arith.addi %mul3A_2, %mul3A_45 : i32
      %dma_start3A_47 = tpu.memref_slice %arg3[%add3A_46] : memref<320000xi32, #tpu.memory_space<hbm>> -> memref<80xi32, #tpu.memory_space<hbm>>
      %dma_start3A_48 = tpu.memref_slice %arg3[%add3A_46] : memref<320000xi32, #tpu.memory_space<hbm>> -> memref<80xi32, #tpu.memory_space<hbm>>
      tpu.enqueue_dma source(%dma_start3A_48 : memref<80xi32, #tpu.memory_space<hbm>>) target(%arg7 : memref<80xi32, #tpu.memory_space<vmem>>) target_semaphore(%arg15 : memref<!tpu.dma_semaphore, #tpu.memory_space<semaphore_mem>>)
      "tpu.region"() ({
        %run_scoped3A_67 = tpu.sem_alloc : memref<!tpu.dma_semaphore, #tpu.memory_space<semaphore_mem>>
        %dma_start3A_68 = arith.constant 0 : i32
        %dma_start3A_69 = tpu.memref_slice %arg9[%mul3A_33, %dma_start3A_68] : memref<125x80xi32, #tpu.memory_space<vmem>> -> memref<1x80xi32, #tpu.memory_space<vmem>>
        %dma_start3A_70 = tpu.memref_squeeze %dma_start3A_69 : memref<1x80xi32, #tpu.memory_space<vmem>> -> memref<80xi32, #tpu.memory_space<vmem>>
        %dma_start3A_71 = arith.constant 0 : i32
        %dma_start3A_72 = arith.constant 0 : i32
        %dma_start3A_73 = tpu.memref_slice %arg12[%dma_start3A_71, %dma_start3A_72] : memref<10112x128xf32, #tpu.memory_space<vmem_shared>> -> memref<10112x128xf32, #tpu.memory_space<vmem_shared>>
        tpu.enqueue_indirect_dma source(%arg10 : memref<80x128xf32, #tpu.memory_space<vmem>>) target(%dma_start3A_73 : memref<10112x128xf32, #tpu.memory_space<vmem_shared>>) offsets(%dma_start3A_70 : memref<80xi32, #tpu.memory_space<vmem>>) semaphore(%run_scoped3A_67 : memref<!tpu.dma_semaphore, #tpu.memory_space<semaphore_mem>>) {add = true}
        %dma_wait3A_74 = arith.constant 0 : i32
        %dma_wait3A_75 = tpu.memref_slice %arg9[%mul3A_33, %dma_wait3A_74] : memref<125x80xi32, #tpu.memory_space<vmem>> -> memref<1x80xi32, #tpu.memory_space<vmem>>
        %dma_wait3A_76 = tpu.memref_squeeze %dma_wait3A_75 : memref<1x80xi32, #tpu.memory_space<vmem>> -> memref<80xi32, #tpu.memory_space<vmem>>
        %dma_wait3A_77 = arith.constant 0 : i32
        %dma_wait3A_78 = arith.constant 0 : i32
        %dma_wait3A_79 = tpu.memref_slice %arg12[%dma_wait3A_77, %dma_wait3A_78] : memref<10112x128xf32, #tpu.memory_space<vmem_shared>> -> memref<10112x128xf32, #tpu.memory_space<vmem_shared>>
        tpu.wait_indirect_dma semaphore(%run_scoped3A_67 : memref<!tpu.dma_semaphore, #tpu.memory_space<semaphore_mem>>) src(%arg10 : memref<80x128xf32, #tpu.memory_space<vmem>>) dst(%dma_wait3A_79 : memref<10112x128xf32, #tpu.memory_space<vmem_shared>>)
        tpu.yield
      }) : () -> ()
      %dma_wait3A_49 = tpu.memref_slice %arg3[%mul3A_2] : memref<320000xi32, #tpu.memory_space<hbm>> -> memref<80xi32, #tpu.memory_space<hbm>>
      %dma_wait3A_50 = tpu.memref_slice %arg3[%mul3A_2] : memref<320000xi32, #tpu.memory_space<hbm>> -> memref<80xi32, #tpu.memory_space<hbm>>
      tpu.wait_dma2 semaphore(%arg15 : memref<!tpu.dma_semaphore, #tpu.memory_space<semaphore_mem>>) src(%dma_wait3A_50 : memref<80xi32, #tpu.memory_space<hbm>>) dst(%arg7 : memref<80xi32, #tpu.memory_space<vmem>>)
      %dma_start3A_51 = arith.constant 0 : i32
      %dma_start3A_52 = arith.constant 0 : i32
      %dma_start3A_53 = tpu.memref_slice %arg2[%dma_start3A_51, %dma_start3A_52] : memref<10000x128xf32, #tpu.memory_space<hbm>> -> memref<10000x128xf32, #tpu.memory_space<hbm>>
      tpu.enqueue_indirect_dma source(%dma_start3A_53 : memref<10000x128xf32, #tpu.memory_space<hbm>>) target(%arg10 : memref<80x128xf32, #tpu.memory_space<vmem>>) offsets(%arg7 : memref<80xi32, #tpu.memory_space<vmem>>) semaphore(%arg13 : memref<!tpu.dma_semaphore, #tpu.memory_space<semaphore_mem>>)
      %dma_wait3A_54 = arith.constant 0 : i32
      %dma_wait3A_55 = arith.constant 0 : i32
      %dma_wait3A_56 = tpu.memref_slice %arg2[%dma_wait3A_54, %dma_wait3A_55] : memref<10000x128xf32, #tpu.memory_space<hbm>> -> memref<10000x128xf32, #tpu.memory_space<hbm>>
      tpu.wait_indirect_dma semaphore(%arg14 : memref<!tpu.dma_semaphore, #tpu.memory_space<semaphore_mem>>) src(%dma_wait3A_56 : memref<10000x128xf32, #tpu.memory_space<hbm>>) dst(%arg11 : memref<80x128xf32, #tpu.memory_space<vmem>>)
      %add3A_57 = arith.constant 3 : i32
      %add3A_58 = arith.addi %mul3A_33, %add3A_57 : i32
      %min3A = arith.constant 124 : i32
      %min3A_59 = arith.minsi %add3A_58, %min3A : i32
      %mul3A_60 = arith.constant 80 : i32
      %mul3A_61 = arith.muli %min3A_59, %mul3A_60 : i32
      %add3A_62 = arith.addi %mul3A_2, %mul3A_61 : i32
      %dma_start3A_63 = tpu.memref_slice %arg3[%add3A_62] : memref<320000xi32, #tpu.memory_space<hbm>> -> memref<80xi32, #tpu.memory_space<hbm>>
      %dma_start3A_64 = tpu.memref_slice %arg3[%add3A_62] : memref<320000xi32, #tpu.memory_space<hbm>> -> memref<80xi32, #tpu.memory_space<hbm>>
      tpu.enqueue_dma source(%dma_start3A_64 : memref<80xi32, #tpu.memory_space<hbm>>) target(%arg8 : memref<80xi32, #tpu.memory_space<vmem>>) target_semaphore(%arg16 : memref<!tpu.dma_semaphore, #tpu.memory_space<semaphore_mem>>)
      %add3A_65 = arith.constant 1 : i32
      %add3A_66 = arith.addi %mul3A_33, %add3A_65 : i32
      "tpu.region"() ({
        %run_scoped3A_67 = tpu.sem_alloc : memref<!tpu.dma_semaphore, #tpu.memory_space<semaphore_mem>>
        %dma_start3A_68 = arith.constant 0 : i32
        %dma_start3A_69 = tpu.memref_slice %arg9[%add3A_66, %dma_start3A_68] : memref<125x80xi32, #tpu.memory_space<vmem>> -> memref<1x80xi32, #tpu.memory_space<vmem>>
        %dma_start3A_70 = tpu.memref_squeeze %dma_start3A_69 : memref<1x80xi32, #tpu.memory_space<vmem>> -> memref<80xi32, #tpu.memory_space<vmem>>
        %dma_start3A_71 = arith.constant 0 : i32
        %dma_start3A_72 = arith.constant 0 : i32
        %dma_start3A_73 = tpu.memref_slice %arg12[%dma_start3A_71, %dma_start3A_72] : memref<10112x128xf32, #tpu.memory_space<vmem_shared>> -> memref<10112x128xf32, #tpu.memory_space<vmem_shared>>
        tpu.enqueue_indirect_dma source(%arg11 : memref<80x128xf32, #tpu.memory_space<vmem>>) target(%dma_start3A_73 : memref<10112x128xf32, #tpu.memory_space<vmem_shared>>) offsets(%dma_start3A_70 : memref<80xi32, #tpu.memory_space<vmem>>) semaphore(%run_scoped3A_67 : memref<!tpu.dma_semaphore, #tpu.memory_space<semaphore_mem>>) {add = true}
        %dma_wait3A_74 = arith.constant 0 : i32
        %dma_wait3A_75 = tpu.memref_slice %arg9[%add3A_66, %dma_wait3A_74] : memref<125x80xi32, #tpu.memory_space<vmem>> -> memref<1x80xi32, #tpu.memory_space<vmem>>
        %dma_wait3A_76 = tpu.memref_squeeze %dma_wait3A_75 : memref<1x80xi32, #tpu.memory_space<vmem>> -> memref<80xi32, #tpu.memory_space<vmem>>
        %dma_wait3A_77 = arith.constant 0 : i32
        %dma_wait3A_78 = arith.constant 0 : i32
        %dma_wait3A_79 = tpu.memref_slice %arg12[%dma_wait3A_77, %dma_wait3A_78] : memref<10112x128xf32, #tpu.memory_space<vmem_shared>> -> memref<10112x128xf32, #tpu.memory_space<vmem_shared>>
        tpu.wait_indirect_dma semaphore(%run_scoped3A_67 : memref<!tpu.dma_semaphore, #tpu.memory_space<semaphore_mem>>) src(%arg11 : memref<80x128xf32, #tpu.memory_space<vmem>>) dst(%dma_wait3A_79 : memref<10112x128xf32, #tpu.memory_space<vmem_shared>>)
        tpu.yield
      }) : () -> ()
    }
    %scan3A_20 = arith.constant 62 : i32
    %dma_wait3A_21 = tpu.memref_slice %arg3[%mul3A_2] : memref<320000xi32, #tpu.memory_space<hbm>> -> memref<80xi32, #tpu.memory_space<hbm>>
    %dma_wait3A_22 = tpu.memref_slice %arg3[%mul3A_2] : memref<320000xi32, #tpu.memory_space<hbm>> -> memref<80xi32, #tpu.memory_space<hbm>>
    tpu.wait_dma2 semaphore(%arg16 : memref<!tpu.dma_semaphore, #tpu.memory_space<semaphore_mem>>) src(%dma_wait3A_22 : memref<80xi32, #tpu.memory_space<hbm>>) dst(%arg8 : memref<80xi32, #tpu.memory_space<vmem>>)
    %dma_wait3A_23 = arith.constant 0 : i32
    %dma_wait3A_24 = arith.constant 0 : i32
    %dma_wait3A_25 = tpu.memref_slice %arg2[%dma_wait3A_23, %dma_wait3A_24] : memref<10000x128xf32, #tpu.memory_space<hbm>> -> memref<10000x128xf32, #tpu.memory_space<hbm>>
    tpu.wait_indirect_dma semaphore(%arg13 : memref<!tpu.dma_semaphore, #tpu.memory_space<semaphore_mem>>) src(%dma_wait3A_25 : memref<10000x128xf32, #tpu.memory_space<hbm>>) dst(%arg10 : memref<80x128xf32, #tpu.memory_space<vmem>>)
    %run_scoped3A = arith.constant 124 : i32
    "tpu.region"() ({
      %run_scoped3A_31 = tpu.sem_alloc : memref<!tpu.dma_semaphore, #tpu.memory_space<semaphore_mem>>
      %dma_start3A_32 = arith.constant 0 : i32
      %dma_start3A_33 = tpu.memref_slice %arg9[%run_scoped3A, %dma_start3A_32] : memref<125x80xi32, #tpu.memory_space<vmem>> -> memref<1x80xi32, #tpu.memory_space<vmem>>
      %dma_start3A_34 = tpu.memref_squeeze %dma_start3A_33 : memref<1x80xi32, #tpu.memory_space<vmem>> -> memref<80xi32, #tpu.memory_space<vmem>>
      %dma_start3A_35 = arith.constant 0 : i32
      %dma_start3A_36 = arith.constant 0 : i32
      %dma_start3A_37 = tpu.memref_slice %arg12[%dma_start3A_35, %dma_start3A_36] : memref<10112x128xf32, #tpu.memory_space<vmem_shared>> -> memref<10112x128xf32, #tpu.memory_space<vmem_shared>>
      tpu.enqueue_indirect_dma source(%arg10 : memref<80x128xf32, #tpu.memory_space<vmem>>) target(%dma_start3A_37 : memref<10112x128xf32, #tpu.memory_space<vmem_shared>>) offsets(%dma_start3A_34 : memref<80xi32, #tpu.memory_space<vmem>>) semaphore(%run_scoped3A_31 : memref<!tpu.dma_semaphore, #tpu.memory_space<semaphore_mem>>) {add = true}
      %dma_wait3A_38 = arith.constant 0 : i32
      %dma_wait3A_39 = tpu.memref_slice %arg9[%run_scoped3A, %dma_wait3A_38] : memref<125x80xi32, #tpu.memory_space<vmem>> -> memref<1x80xi32, #tpu.memory_space<vmem>>
      %dma_wait3A_40 = tpu.memref_squeeze %dma_wait3A_39 : memref<1x80xi32, #tpu.memory_space<vmem>> -> memref<80xi32, #tpu.memory_space<vmem>>
      %dma_wait3A_41 = arith.constant 0 : i32
      %dma_wait3A_42 = arith.constant 0 : i32
      %dma_wait3A_43 = tpu.memref_slice %arg12[%dma_wait3A_41, %dma_wait3A_42] : memref<10112x128xf32, #tpu.memory_space<vmem_shared>> -> memref<10112x128xf32, #tpu.memory_space<vmem_shared>>
      tpu.wait_indirect_dma semaphore(%run_scoped3A_31 : memref<!tpu.dma_semaphore, #tpu.memory_space<semaphore_mem>>) src(%arg10 : memref<80x128xf32, #tpu.memory_space<vmem>>) dst(%dma_wait3A_43 : memref<10112x128xf32, #tpu.memory_space<vmem_shared>>)
      tpu.yield
    }) : () -> ()
    %barrier3A_26 = arith.constant 0 : index
    tpu.barrier barrier_id(%barrier3A_26)
    %mul3A_27 = arith.constant 632 : i32
    %mul3A_28 = arith.muli %arg1, %mul3A_27 : i32
    %mul3A_29 = arith.constant 632 : i32
    %mul3A_30 = arith.muli %arg1, %mul3A_29 : i32
    "tpu.region"() ({
      %run_scoped3A_31 = tpu.sem_alloc : memref<!tpu.dma_semaphore, #tpu.memory_space<semaphore_mem>>
      %dma_start3A_32 = arith.constant 0 : i32
      %dma_start3A_33 = tpu.memref_slice %arg6[%arg0, %mul3A_30, %dma_start3A_32] : memref<2x10112x128xf32, #tpu.memory_space<hbm>> -> memref<1x632x128xf32, #tpu.memory_space<hbm>>
      %dma_start3A_34 = tpu.memref_squeeze %dma_start3A_33 : memref<1x632x128xf32, #tpu.memory_space<hbm>> -> memref<632x128xf32, #tpu.memory_space<hbm>>
      %dma_start3A_35 = arith.constant 0 : i32
      %dma_start3A_36 = tpu.memref_slice %arg12[%mul3A_28, %dma_start3A_35] : memref<10112x128xf32, #tpu.memory_space<vmem_shared>> -> memref<632x128xf32, #tpu.memory_space<vmem_shared>>
      tpu.enqueue_dma source(%dma_start3A_36 : memref<632x128xf32, #tpu.memory_space<vmem_shared>>) target(%dma_start3A_34 : memref<632x128xf32, #tpu.memory_space<hbm>>) target_semaphore(%run_scoped3A_31 : memref<!tpu.dma_semaphore, #tpu.memory_space<semaphore_mem>>)
      %dma_wait3A_37 = arith.constant 0 : i32
      %dma_wait3A_38 = tpu.memref_slice %arg6[%arg0, %mul3A_30, %dma_wait3A_37] : memref<2x10112x128xf32, #tpu.memory_space<hbm>> -> memref<1x632x128xf32, #tpu.memory_space<hbm>>
      %dma_wait3A_39 = tpu.memref_squeeze %dma_wait3A_38 : memref<1x632x128xf32, #tpu.memory_space<hbm>> -> memref<632x128xf32, #tpu.memory_space<hbm>>
      %dma_wait3A_40 = arith.constant 0 : i32
      %dma_wait3A_41 = tpu.memref_slice %arg12[%mul3A_28, %dma_wait3A_40] : memref<10112x128xf32, #tpu.memory_space<vmem_shared>> -> memref<632x128xf32, #tpu.memory_space<vmem_shared>>
      tpu.wait_dma2 semaphore(%run_scoped3A_31 : memref<!tpu.dma_semaphore, #tpu.memory_space<semaphore_mem>>) src(%dma_wait3A_41 : memref<632x128xf32, #tpu.memory_space<vmem_shared>>) dst(%dma_wait3A_39 : memref<632x128xf32, #tpu.memory_space<hbm>>)
      tpu.yield
    }) : () -> ()
    return
  }
}

module attributes {stable_mosaic.version = 14 : i64} {
  func.func @_in_msg_body(%arg0: i32, %arg1: memref<2000x128xf32, #tpu.memory_space<vmem>>, %arg2: memref<128x128xf32, #tpu.memory_space<vmem>>, %arg3: memref<1x128xf32, #tpu.memory_space<vmem>>, %arg4: memref<128x128xf32, #tpu.memory_space<vmem>>, %arg5: memref<1x128xf32, #tpu.memory_space<vmem>>, %arg6: memref<2000x128xf32, #tpu.memory_space<vmem>>, %arg7: memref<2000x128xf32, #tpu.memory_space<vmem>>) attributes {dimension_semantics = [#tpu.dimension_semantics<arbitrary>], iteration_bounds = array<i64: 5>, scalar_prefetch = 0 : i64, scratch_operands = 0 : i64, tpu.core_type = #tpu.core_type<tc>, window_params = [{transform_indices = @transform_0, window_bounds = array<i64: 2000, 128>}, {pipeline_mode = #tpu.pipeline_mode<synchronous>, transform_indices = @transform_1, window_bounds = array<i64: 128, 128>}, {pipeline_mode = #tpu.pipeline_mode<synchronous>, transform_indices = @transform_2, window_bounds = array<i64: 1, 128>}, {pipeline_mode = #tpu.pipeline_mode<synchronous>, transform_indices = @transform_3, window_bounds = array<i64: 128, 128>}, {pipeline_mode = #tpu.pipeline_mode<synchronous>, transform_indices = @transform_4, window_bounds = array<i64: 1, 128>}, {transform_indices = @transform_5, window_bounds = array<i64: 2000, 128>}, {transform_indices = @transform_6, window_bounds = array<i64: 2000, 128>}]} {
    %get3A = arith.constant 0 : index
    %get3A_0 = arith.constant 0 : index
    %get3A_1 = vector.load %arg1[%get3A, %get3A_0] : memref<2000x128xf32, #tpu.memory_space<vmem>>, vector<2000x128xf32>
    %get3A_2 = arith.constant 0 : index
    %get3A_3 = arith.constant 0 : index
    %get3A_4 = vector.load %arg2[%get3A_2, %get3A_3] : memref<128x128xf32, #tpu.memory_space<vmem>>, vector<128x128xf32>
    %dot_general3A = arith.constant dense<0.000000e+00> : vector<2000x128xf32>
    %dot_general3A_5 = tpu.matmul %get3A_1, %get3A_4, %dot_general3A {dimension_numbers = #tpu.dot_dimension_numbers<[1], [0], [0], [1], [0, 0, 1, 1], [], []>, transpose_lhs_hint = false} : vector<2000x128xf32>, vector<128x128xf32>, vector<2000x128xf32> -> vector<2000x128xf32>
    %get3A_6 = arith.constant 0 : index
    %get3A_7 = arith.constant 0 : index
    %get3A_8 = vector.load %arg3[%get3A_6, %get3A_7] : memref<1x128xf32, #tpu.memory_space<vmem>>, vector<1x128xf32>
    %add3A = vector.broadcast %get3A_8 : vector<1x128xf32> to vector<2000x128xf32>
    %add3A_9 = arith.addf %dot_general3A_5, %add3A : vector<2000x128xf32>
    %max3A = arith.constant 0.000000e+00 : f32
    %max3A_10 = vector.broadcast %max3A : f32 to vector<2000x128xf32>
    %max3A_11 = arith.maximumf %add3A_9, %max3A_10 : vector<2000x128xf32>
    %swap3A = arith.constant 0 : index
    %swap3A_12 = arith.constant 0 : index
    %swap3A_13 = vector.load %arg6[%swap3A, %swap3A_12] : memref<2000x128xf32, #tpu.memory_space<vmem>>, vector<2000x128xf32>
    tpu.vector_store %arg6[%swap3A, %swap3A_12], %max3A_11 {strides = array<i32>} : memref<2000x128xf32, #tpu.memory_space<vmem>>, vector<2000x128xf32>,
    %get3A_14 = arith.constant 0 : index
    %get3A_15 = arith.constant 0 : index
    %get3A_16 = vector.load %arg4[%get3A_14, %get3A_15] : memref<128x128xf32, #tpu.memory_space<vmem>>, vector<128x128xf32>
    %dot_general3A_17 = arith.constant dense<0.000000e+00> : vector<2000x128xf32>
    %dot_general3A_18 = tpu.matmul %max3A_11, %get3A_16, %dot_general3A_17 {dimension_numbers = #tpu.dot_dimension_numbers<[1], [0], [0], [1], [0, 0, 1, 1], [], []>, transpose_lhs_hint = false} : vector<2000x128xf32>, vector<128x128xf32>, vector<2000x128xf32> -> vector<2000x128xf32>
    %get3A_19 = arith.constant 0 : index
    %get3A_20 = arith.constant 0 : index
    %get3A_21 = vector.load %arg5[%get3A_19, %get3A_20] : memref<1x128xf32, #tpu.memory_space<vmem>>, vector<1x128xf32>
    %add3A_22 = vector.broadcast %get3A_21 : vector<1x128xf32> to vector<2000x128xf32>
    %add3A_23 = arith.addf %dot_general3A_18, %add3A_22 : vector<2000x128xf32>
    %max3A_24 = arith.constant 0.000000e+00 : f32
    %max3A_25 = vector.broadcast %max3A_24 : f32 to vector<2000x128xf32>
    %max3A_26 = arith.maximumf %add3A_23, %max3A_25 : vector<2000x128xf32>
    %swap3A_27 = arith.constant 0 : index
    %swap3A_28 = arith.constant 0 : index
    %swap3A_29 = vector.load %arg7[%swap3A_27, %swap3A_28] : memref<2000x128xf32, #tpu.memory_space<vmem>>, vector<2000x128xf32>
    tpu.vector_store %arg7[%swap3A_27, %swap3A_28], %max3A_26 {strides = array<i32>} : memref<2000x128xf32, #tpu.memory_space<vmem>>, vector<2000x128xf32>,
    return
  }
  func.func @transform_0(%arg0: i32) -> (i32, i32) {
    %c0_i32 = arith.constant 0 : i32
    %c0_i32_0 = arith.constant 0 : i32
    return %arg0, %c0_i32 : i32, i32
  }
  func.func @transform_1(%arg0: i32) -> (i32, i32) {
    %c0_i32 = arith.constant 0 : i32
    %c0_i32_0 = arith.constant 0 : i32
    %c0_i32_1 = arith.constant 0 : i32
    return %c0_i32, %c0_i32_0 : i32, i32
  }
  func.func @transform_2(%arg0: i32) -> (i32, i32) {
    %c0_i32 = arith.constant 0 : i32
    %c0_i32_0 = arith.constant 0 : i32
    %c0_i32_1 = arith.constant 0 : i32
    return %c0_i32, %c0_i32_0 : i32, i32
  }
  func.func @transform_3(%arg0: i32) -> (i32, i32) {
    %c0_i32 = arith.constant 0 : i32
    %c0_i32_0 = arith.constant 0 : i32
    %c0_i32_1 = arith.constant 0 : i32
    return %c0_i32, %c0_i32_0 : i32, i32
  }
  func.func @transform_4(%arg0: i32) -> (i32, i32) {
    %c0_i32 = arith.constant 0 : i32
    %c0_i32_0 = arith.constant 0 : i32
    %c0_i32_1 = arith.constant 0 : i32
    return %c0_i32, %c0_i32_0 : i32, i32
  }
  func.func @transform_5(%arg0: i32) -> (i32, i32) {
    %c0_i32 = arith.constant 0 : i32
    %c0_i32_0 = arith.constant 0 : i32
    return %arg0, %c0_i32 : i32, i32
  }
  func.func @transform_6(%arg0: i32) -> (i32, i32) {
    %c0_i32 = arith.constant 0 : i32
    %c0_i32_0 = arith.constant 0 : i32
    return %arg0, %c0_i32 : i32, i32
  }
}

module attributes {stable_mosaic.version = 14 : i64} {
  func.func @_upd_msg_body(%arg0: i32, %arg1: memref<2000x128xf32, #tpu.memory_space<vmem>>, %arg2: memref<1x2000x128xf32, #tpu.memory_space<vmem>>, %arg3: memref<1x2000x128xf32, #tpu.memory_space<vmem>>, %arg4: memref<256x128xf32, #tpu.memory_space<vmem>>, %arg5: memref<1x128xf32, #tpu.memory_space<vmem>>, %arg6: memref<128x128xf32, #tpu.memory_space<vmem>>, %arg7: memref<1x128xf32, #tpu.memory_space<vmem>>, %arg8: memref<2000x128xf32, #tpu.memory_space<vmem>>, %arg9: memref<2000x128xf32, #tpu.memory_space<vmem>>) attributes {dimension_semantics = [#tpu.dimension_semantics<arbitrary>], iteration_bounds = array<i64: 5>, scalar_prefetch = 0 : i64, scratch_operands = 0 : i64, tpu.core_type = #tpu.core_type<tc>, window_params = [{transform_indices = @transform_0, window_bounds = array<i64: 2000, 128>}, {transform_indices = @transform_1, window_bounds = array<i64: 1, 2000, 128>}, {transform_indices = @transform_2, window_bounds = array<i64: 1, 2000, 128>}, {pipeline_mode = #tpu.pipeline_mode<synchronous>, transform_indices = @transform_3, window_bounds = array<i64: 256, 128>}, {pipeline_mode = #tpu.pipeline_mode<synchronous>, transform_indices = @transform_4, window_bounds = array<i64: 1, 128>}, {pipeline_mode = #tpu.pipeline_mode<synchronous>, transform_indices = @transform_5, window_bounds = array<i64: 128, 128>}, {pipeline_mode = #tpu.pipeline_mode<synchronous>, transform_indices = @transform_6, window_bounds = array<i64: 1, 128>}, {transform_indices = @transform_7, window_bounds = array<i64: 2000, 128>}, {transform_indices = @transform_8, window_bounds = array<i64: 2000, 128>}]} {
    %get3A = arith.constant 0 : index
    %get3A_0 = arith.constant 0 : index
    %get3A_1 = vector.load %arg1[%get3A, %get3A_0] : memref<2000x128xf32, #tpu.memory_space<vmem>>, vector<2000x128xf32>
    %get3A_2 = arith.constant 0 : index
    %get3A_3 = arith.constant 0 : index
    %get3A_4 = arith.constant 0 : index
    %get3A_5 = vector.load %arg2[%get3A_2, %get3A_3, %get3A_4] : memref<1x2000x128xf32, #tpu.memory_space<vmem>>, vector<1x2000x128xf32>
    %get3A_6 = vector.shape_cast %get3A_5 : vector<1x2000x128xf32> to vector<2000x128xf32>
    %get3A_7 = arith.constant 0 : index
    %get3A_8 = arith.constant 0 : index
    %get3A_9 = arith.constant 0 : index
    %get3A_10 = vector.load %arg3[%get3A_7, %get3A_8, %get3A_9] : memref<1x2000x128xf32, #tpu.memory_space<vmem>>, vector<1x2000x128xf32>
    %get3A_11 = vector.shape_cast %get3A_10 : vector<1x2000x128xf32> to vector<2000x128xf32>
    %add3A = arith.addf %get3A_6, %get3A_11 : vector<2000x128xf32>
    %concatenate3A = tpu.concatenate %get3A_1, %add3A in 1 : vector<2000x128xf32>, vector<2000x128xf32> -> vector<2000x256xf32>
    %get3A_12 = arith.constant 0 : index
    %get3A_13 = arith.constant 0 : index
    %get3A_14 = vector.load %arg4[%get3A_12, %get3A_13] : memref<256x128xf32, #tpu.memory_space<vmem>>, vector<256x128xf32>
    %dot_general3A = arith.constant dense<0.000000e+00> : vector<2000x128xf32>
    %dot_general3A_15 = tpu.matmul %concatenate3A, %get3A_14, %dot_general3A {dimension_numbers = #tpu.dot_dimension_numbers<[1], [0], [0], [1], [0, 0, 1, 1], [], []>, transpose_lhs_hint = false} : vector<2000x256xf32>, vector<256x128xf32>, vector<2000x128xf32> -> vector<2000x128xf32>
    %get3A_16 = arith.constant 0 : index
    %get3A_17 = arith.constant 0 : index
    %get3A_18 = vector.load %arg5[%get3A_16, %get3A_17] : memref<1x128xf32, #tpu.memory_space<vmem>>, vector<1x128xf32>
    %add3A_19 = vector.broadcast %get3A_18 : vector<1x128xf32> to vector<2000x128xf32>
    %add3A_20 = arith.addf %dot_general3A_15, %add3A_19 : vector<2000x128xf32>
    %max3A = arith.constant 0.000000e+00 : f32
    %max3A_21 = vector.broadcast %max3A : f32 to vector<2000x128xf32>
    %max3A_22 = arith.maximumf %add3A_20, %max3A_21 : vector<2000x128xf32>
    %swap3A = arith.constant 0 : index
    %swap3A_23 = arith.constant 0 : index
    %swap3A_24 = vector.load %arg8[%swap3A, %swap3A_23] : memref<2000x128xf32, #tpu.memory_space<vmem>>, vector<2000x128xf32>
    tpu.vector_store %arg8[%swap3A, %swap3A_23], %max3A_22 {strides = array<i32>} : memref<2000x128xf32, #tpu.memory_space<vmem>>, vector<2000x128xf32>,
    %get3A_25 = arith.constant 0 : index
    %get3A_26 = arith.constant 0 : index
    %get3A_27 = vector.load %arg6[%get3A_25, %get3A_26] : memref<128x128xf32, #tpu.memory_space<vmem>>, vector<128x128xf32>
    %dot_general3A_28 = arith.constant dense<0.000000e+00> : vector<2000x128xf32>
    %dot_general3A_29 = tpu.matmul %max3A_22, %get3A_27, %dot_general3A_28 {dimension_numbers = #tpu.dot_dimension_numbers<[1], [0], [0], [1], [0, 0, 1, 1], [], []>, transpose_lhs_hint = false} : vector<2000x128xf32>, vector<128x128xf32>, vector<2000x128xf32> -> vector<2000x128xf32>
    %get3A_30 = arith.constant 0 : index
    %get3A_31 = arith.constant 0 : index
    %get3A_32 = vector.load %arg7[%get3A_30, %get3A_31] : memref<1x128xf32, #tpu.memory_space<vmem>>, vector<1x128xf32>
    %add3A_33 = vector.broadcast %get3A_32 : vector<1x128xf32> to vector<2000x128xf32>
    %add3A_34 = arith.addf %dot_general3A_29, %add3A_33 : vector<2000x128xf32>
    %max3A_35 = arith.constant 0.000000e+00 : f32
    %max3A_36 = vector.broadcast %max3A_35 : f32 to vector<2000x128xf32>
    %max3A_37 = arith.maximumf %add3A_34, %max3A_36 : vector<2000x128xf32>
    %swap3A_38 = arith.constant 0 : index
    %swap3A_39 = arith.constant 0 : index
    %swap3A_40 = vector.load %arg9[%swap3A_38, %swap3A_39] : memref<2000x128xf32, #tpu.memory_space<vmem>>, vector<2000x128xf32>
    tpu.vector_store %arg9[%swap3A_38, %swap3A_39], %max3A_37 {strides = array<i32>} : memref<2000x128xf32, #tpu.memory_space<vmem>>, vector<2000x128xf32>,
    return
  }
  func.func @transform_0(%arg0: i32) -> (i32, i32) {
    %c0_i32 = arith.constant 0 : i32
    %c0_i32_0 = arith.constant 0 : i32
    return %arg0, %c0_i32 : i32, i32
  }
  func.func @transform_1(%arg0: i32) -> (i32, i32, i32) {
    %c0_i32 = arith.constant 0 : i32
    %c0_i32_0 = arith.constant 0 : i32
    %c0_i32_1 = arith.constant 0 : i32
    return %c0_i32, %arg0, %c0_i32_0 : i32, i32, i32
  }
  func.func @transform_2(%arg0: i32) -> (i32, i32, i32) {
    %c1_i32 = arith.constant 1 : i32
    %c0_i32 = arith.constant 0 : i32
    %c0_i32_0 = arith.constant 0 : i32
    return %c1_i32, %arg0, %c0_i32 : i32, i32, i32
  }
  func.func @transform_3(%arg0: i32) -> (i32, i32) {
    %c0_i32 = arith.constant 0 : i32
    %c0_i32_0 = arith.constant 0 : i32
    %c0_i32_1 = arith.constant 0 : i32
    return %c0_i32, %c0_i32_0 : i32, i32
  }
  func.func @transform_4(%arg0: i32) -> (i32, i32) {
    %c0_i32 = arith.constant 0 : i32
    %c0_i32_0 = arith.constant 0 : i32
    %c0_i32_1 = arith.constant 0 : i32
    return %c0_i32, %c0_i32_0 : i32, i32
  }
  func.func @transform_5(%arg0: i32) -> (i32, i32) {
    %c0_i32 = arith.constant 0 : i32
    %c0_i32_0 = arith.constant 0 : i32
    %c0_i32_1 = arith.constant 0 : i32
    return %c0_i32, %c0_i32_0 : i32, i32
  }
  func.func @transform_6(%arg0: i32) -> (i32, i32) {
    %c0_i32 = arith.constant 0 : i32
    %c0_i32_0 = arith.constant 0 : i32
    %c0_i32_1 = arith.constant 0 : i32
    return %c0_i32, %c0_i32_0 : i32, i32
  }
  func.func @transform_7(%arg0: i32) -> (i32, i32) {
    %c0_i32 = arith.constant 0 : i32
    %c0_i32_0 = arith.constant 0 : i32
    return %arg0, %c0_i32 : i32, i32
  }
  func.func @transform_8(%arg0: i32) -> (i32, i32) {
    %c0_i32 = arith.constant 0 : i32
    %c0_i32_0 = arith.constant 0 : i32
    return %arg0, %c0_i32 : i32, i32
  }
}

module attributes {stable_mosaic.version = 14 : i64} {
  func.func @_upd_out_body(%arg0: i32, %arg1: memref<2000x128xf32, #tpu.memory_space<vmem>>, %arg2: memref<1x2000x128xf32, #tpu.memory_space<vmem>>, %arg3: memref<1x2000x128xf32, #tpu.memory_space<vmem>>, %arg4: memref<256x128xf32, #tpu.memory_space<vmem>>, %arg5: memref<1x128xf32, #tpu.memory_space<vmem>>, %arg6: memref<128x1xf32, #tpu.memory_space<vmem>>, %arg7: memref<1x1xf32, #tpu.memory_space<vmem>>, %arg8: memref<2000x1xf32, #tpu.memory_space<vmem>>) attributes {dimension_semantics = [#tpu.dimension_semantics<arbitrary>], iteration_bounds = array<i64: 5>, scalar_prefetch = 0 : i64, scratch_operands = 0 : i64, tpu.core_type = #tpu.core_type<tc>, window_params = [{transform_indices = @transform_0, window_bounds = array<i64: 2000, 128>}, {transform_indices = @transform_1, window_bounds = array<i64: 1, 2000, 128>}, {transform_indices = @transform_2, window_bounds = array<i64: 1, 2000, 128>}, {pipeline_mode = #tpu.pipeline_mode<synchronous>, transform_indices = @transform_3, window_bounds = array<i64: 256, 128>}, {pipeline_mode = #tpu.pipeline_mode<synchronous>, transform_indices = @transform_4, window_bounds = array<i64: 1, 128>}, {pipeline_mode = #tpu.pipeline_mode<synchronous>, transform_indices = @transform_5, window_bounds = array<i64: 128, 1>}, {pipeline_mode = #tpu.pipeline_mode<synchronous>, transform_indices = @transform_6, window_bounds = array<i64: 1, 1>}, {transform_indices = @transform_7, window_bounds = array<i64: 2000, 1>}]} {
    %get3A = arith.constant 0 : index
    %get3A_0 = arith.constant 0 : index
    %get3A_1 = vector.load %arg1[%get3A, %get3A_0] : memref<2000x128xf32, #tpu.memory_space<vmem>>, vector<2000x128xf32>
    %get3A_2 = arith.constant 0 : index
    %get3A_3 = arith.constant 0 : index
    %get3A_4 = arith.constant 0 : index
    %get3A_5 = vector.load %arg2[%get3A_2, %get3A_3, %get3A_4] : memref<1x2000x128xf32, #tpu.memory_space<vmem>>, vector<1x2000x128xf32>
    %get3A_6 = vector.shape_cast %get3A_5 : vector<1x2000x128xf32> to vector<2000x128xf32>
    %get3A_7 = arith.constant 0 : index
    %get3A_8 = arith.constant 0 : index
    %get3A_9 = arith.constant 0 : index
    %get3A_10 = vector.load %arg3[%get3A_7, %get3A_8, %get3A_9] : memref<1x2000x128xf32, #tpu.memory_space<vmem>>, vector<1x2000x128xf32>
    %get3A_11 = vector.shape_cast %get3A_10 : vector<1x2000x128xf32> to vector<2000x128xf32>
    %add3A = arith.addf %get3A_6, %get3A_11 : vector<2000x128xf32>
    %concatenate3A = tpu.concatenate %get3A_1, %add3A in 1 : vector<2000x128xf32>, vector<2000x128xf32> -> vector<2000x256xf32>
    %get3A_12 = arith.constant 0 : index
    %get3A_13 = arith.constant 0 : index
    %get3A_14 = vector.load %arg4[%get3A_12, %get3A_13] : memref<256x128xf32, #tpu.memory_space<vmem>>, vector<256x128xf32>
    %dot_general3A = arith.constant dense<0.000000e+00> : vector<2000x128xf32>
    %dot_general3A_15 = tpu.matmul %concatenate3A, %get3A_14, %dot_general3A {dimension_numbers = #tpu.dot_dimension_numbers<[1], [0], [0], [1], [0, 0, 1, 1], [], []>, transpose_lhs_hint = false} : vector<2000x256xf32>, vector<256x128xf32>, vector<2000x128xf32> -> vector<2000x128xf32>
    %get3A_16 = arith.constant 0 : index
    %get3A_17 = arith.constant 0 : index
    %get3A_18 = vector.load %arg5[%get3A_16, %get3A_17] : memref<1x128xf32, #tpu.memory_space<vmem>>, vector<1x128xf32>
    %add3A_19 = vector.broadcast %get3A_18 : vector<1x128xf32> to vector<2000x128xf32>
    %add3A_20 = arith.addf %dot_general3A_15, %add3A_19 : vector<2000x128xf32>
    %max3A = arith.constant 0.000000e+00 : f32
    %max3A_21 = vector.broadcast %max3A : f32 to vector<2000x128xf32>
    %max3A_22 = arith.maximumf %add3A_20, %max3A_21 : vector<2000x128xf32>
    %get3A_23 = arith.constant 0 : index
    %get3A_24 = arith.constant 0 : index
    %get3A_25 = vector.load %arg6[%get3A_23, %get3A_24] : memref<128x1xf32, #tpu.memory_space<vmem>>, vector<128x1xf32>
    %dot_general3A_26 = arith.constant dense<0.000000e+00> : vector<2000x1xf32>
    %dot_general3A_27 = tpu.matmul %max3A_22, %get3A_25, %dot_general3A_26 {dimension_numbers = #tpu.dot_dimension_numbers<[1], [0], [0], [1], [0, 0, 1, 1], [], []>, transpose_lhs_hint = false} : vector<2000x128xf32>, vector<128x1xf32>, vector<2000x1xf32> -> vector<2000x1xf32>
    %get3A_28 = arith.constant 0 : index
    %get3A_29 = arith.constant 0 : index
    %get3A_30 = vector.load %arg7[%get3A_28, %get3A_29] : memref<1x1xf32, #tpu.memory_space<vmem>>, vector<1x1xf32>
    %add3A_31 = vector.broadcast %get3A_30 : vector<1x1xf32> to vector<2000x1xf32>
    %add3A_32 = arith.addf %dot_general3A_27, %add3A_31 : vector<2000x1xf32>
    %swap3A = arith.constant 0 : index
    %swap3A_33 = arith.constant 0 : index
    %swap3A_34 = vector.load %arg8[%swap3A, %swap3A_33] : memref<2000x1xf32, #tpu.memory_space<vmem>>, vector<2000x1xf32>
    tpu.vector_store %arg8[%swap3A, %swap3A_33], %add3A_32 {strides = array<i32>} : memref<2000x1xf32, #tpu.memory_space<vmem>>, vector<2000x1xf32>,
    return
  }
  func.func @transform_0(%arg0: i32) -> (i32, i32) {
    %c0_i32 = arith.constant 0 : i32
    %c0_i32_0 = arith.constant 0 : i32
    return %arg0, %c0_i32 : i32, i32
  }
  func.func @transform_1(%arg0: i32) -> (i32, i32, i32) {
    %c0_i32 = arith.constant 0 : i32
    %c0_i32_0 = arith.constant 0 : i32
    %c0_i32_1 = arith.constant 0 : i32
    return %c0_i32, %arg0, %c0_i32_0 : i32, i32, i32
  }
  func.func @transform_2(%arg0: i32) -> (i32, i32, i32) {
    %c1_i32 = arith.constant 1 : i32
    %c0_i32 = arith.constant 0 : i32
    %c0_i32_0 = arith.constant 0 : i32
    return %c1_i32, %arg0, %c0_i32 : i32, i32, i32
  }
  func.func @transform_3(%arg0: i32) -> (i32, i32) {
    %c0_i32 = arith.constant 0 : i32
    %c0_i32_0 = arith.constant 0 : i32
    %c0_i32_1 = arith.constant 0 : i32
    return %c0_i32, %c0_i32_0 : i32, i32
  }
  func.func @transform_4(%arg0: i32) -> (i32, i32) {
    %c0_i32 = arith.constant 0 : i32
    %c0_i32_0 = arith.constant 0 : i32
    %c0_i32_1 = arith.constant 0 : i32
    return %c0_i32, %c0_i32_0 : i32, i32
  }
  func.func @transform_5(%arg0: i32) -> (i32, i32) {
    %c0_i32 = arith.constant 0 : i32
    %c0_i32_0 = arith.constant 0 : i32
    %c0_i32_1 = arith.constant 0 : i32
    return %c0_i32, %c0_i32_0 : i32, i32
  }
  func.func @transform_6(%arg0: i32) -> (i32, i32) {
    %c0_i32 = arith.constant 0 : i32
    %c0_i32_0 = arith.constant 0 : i32
    %c0_i32_1 = arith.constant 0 : i32
    return %c0_i32, %c0_i32_0 : i32, i32
  }
  func.func @transform_7(%arg0: i32) -> (i32, i32) {
    %c0_i32 = arith.constant 0 : i32
    %c0_i32_0 = arith.constant 0 : i32
    return %arg0, %c0_i32 : i32, i32
  }
}

</mosaic_0001>

<sc_bundles>
// kernel: kernel.10.cloned.1.call-start
scs
__scs_entry_jumppad:
0x0: {  	(pc) =	sbr.rel $0x88, $3  }
0x1: {  	(tag) =	ssettag $0x0;
	lr =	simm.s32 $0x1  }
0x2: {  	[smem:$0x3F93] =	sst lr;
	_ =	strace $0xD0000000  }
0x3: {  	_ = 	snop  }
0x4: {  	_ = 	snop  }
0x5: {  	_ = 	snop  }
0x6: {  	_ = 	snop  }
0x7: {  	_ = 	snop  }
__scs_overlays_trampoline_lowered:
0x8: {  	[smem:$0x3FA2] =	sst s0  }
0x9: {  	[smem:$0x3FA3] =	sst s1  }
0xa: {  	[smem:$0x3FA4] =	sst s2  }
0xb: {  	[smem:$0x3FA5] =	sst s3  }
0xc: {  	[smem:$0x3FA6] =	sst s4  }
0xd: {  	[smem:$0x3FA7] =	sst s5  }
0xe: {  	[smem:$0x3FA8] =	sst s6  }
0xf: {  	[smem:$0x3FA9] =	sst s7  }
0x10: {  	[smem:$0x3FAA] =	sst s8  }
0x11: {  	[smem:$0x3FAB] =	sst s9;
	s0 =	simm.s32 @!p0 $0x0  }
0x12: {  	s1 =	sld [smem:$0x3F91];
	s0 =	simm.s32 @p0 $0x1  }
0x13: {  	[smem:$0x3FAC] =	sst s0;
	s0 =	simm.s32 @!p1 $0x0  }
0x14: {  	s2 =	sld [smem:$0x3F90];
	s0 =	simm.s32 @p1 $0x1  }
0x15: {  	[smem:$0x3FAD] =	sst s0;
	s0 =	simm.s32 @!p2 $0x0  }
0x16: {  	s3 =	sld [smem:$0x3FDB];
	s0 =	simm.s32 @p2 $0x1  }
0x17: {  	s4 =	simm.s32 $0x1BF5;
	[smem:$0x3FAF] =	sst s0  }
0x18: {  	s0 =	sld [smem:$0x3F92];
	_ =	swait.ge [sflag:s4], $0x0  }
0x19: {  	s7 =	sld [smem:$0x3F93]  }
0x1a: {  	s8 =	sadd.s32 $0xFFFFE003, lr  }
0x1b: {  	s9 =	sadd.s32 $0xFFFFFEF7, lr;
	s5 =	simm.s32 $0xFFFFFFFF;
	p2 =	slt.u32 s8, $0xFFFFF086  }
0x1c: {  	p1 =	slt.u32 s9, $0xF7A;
	s5 =	simm.s32 @!p2 $0x0  }
0x1d: {  	s5 =	simm.s32 @p1 $0x1;
	p0 =	seq.s32 s7, s2  }
0x1e: {  	s7 =	smul.u32 @!p0 $0xF7A, s2;
	p2 =	seq.s32 @!p0 s5, $0x0  }
0x1f: {  	s9 =	smul.u32 $0xF7A, s1;
	s8 =	simm.s32 @!p0 $0x1BF5;
	p2 =	por !p2, p0  }
0x20: {  	[sflag:s8] =	ssyncset.s32 @!p0 $0xFFFFF086;
	s6 =	sadd.s32 @!p0 s3, s7;
	s7 =	simm.s32 @!p0 $0x108  }
0x21: {  	s3 =	sadd.s32 s3, s9;
	s6 =	sadd.s32 @!p0 $0x88, s6;
	s7 =	simm.s32 @p2 $0x1082  }
0x22: {  	[simem:s7], [sflag:s8] =	dma.local @!p0 [hbm:s6], $0xF7A  }
0x23: {  	s9 =	sor.u32 $0xD0000000, s2;
	s6 =	simm.s32 $0x108;
	_ =	swait.ge @!p0 [sflag:s8], $0x0  }
0x24: {  	s3 =	sadd.s32 $0x88, s3;
	s6 =	simm.s32 @!p1 $0x1082;
	[sflag:s4] =	ssyncset.s32 $0xFFFFF086  }
0x25: {  	[simem:s6], [sflag:s4] =	dma.local [hbm:s3], $0xF7A  }
0x26: {  	[smem:$0x3F93] =	sst s1;
	(tag) =	ssettag s2;
	_ =	strace s9  }
0x27: {  	s1 =	sld [smem:$0x3FA3]  }
0x28: {  	s2 =	sld [smem:$0x3FA4]  }
0x29: {  	s4 =	sld [smem:$0x3FA6]  }
0x2a: {  	p0 =	seq.s32 s5, $0x0;
	s5 =	sld [smem:$0x3FA7]  }
0x2b: {  	s6 =	sld [smem:$0x3FA8]  }
0x2c: {  	s7 =	sld [smem:$0x3FA9]  }
0x2d: {  	s3 =	simm.s32 $0x108;
	s8 =	sld [smem:$0x3FAA]  }
0x2e: {  	s3 =	simm.s32 @!p0 $0x1082;
	s9 =	sld [smem:$0x3FAB]  }
0x2f: {  	lr =	sadd.s32 s0, s3;
	s0 =	sld [smem:$0x3FA2]  }
0x30: {  	s3 =	sld [smem:$0x3FA5]  }
0x31: {  	[smem:$0x3FAE] =	sst s10  }
0x32: {  	s10 =	sld [smem:$0x3FAC];
	_ =	sdelay $0x3  }
0x33: {  	p0 =	seq.s32 s10, $0x1;
	s10 =	sld [smem:$0x3FAE];
	_ =	sdelay $0x3  }
0x34: {  	[smem:$0x3FAE] =	sst s10  }
0x35: {  	s10 =	sld [smem:$0x3FAD];
	_ =	sdelay $0x3  }
0x36: {  	p1 =	seq.s32 s10, $0x1;
	s10 =	sld [smem:$0x3FAE];
	_ =	sdelay $0x3  }
0x37: {  	[smem:$0x3FAE] =	sst s10  }
0x38: {  	s10 =	sld [smem:$0x3FAF]  }
0x39: {  	_ = 	snop;
	(pc) =	sbr.ind lr, $3  }
0x3a: {  	_ = 	snop  }
0x3b: {  	_ = 	snop  }
0x3c: {  	p2 =	seq.s32 s10, $0x1;
	s10 =	sld [smem:$0x3FAE]  }
0x3d: {  	_ =	shalt  }
0x3e: {  	_ =	shalt  }
0x3f: {  	_ =	shalt  }
0x40: {  	_ =	shalt  }
0x41: {  	_ =	shalt  }
0x42: {  	_ =	shalt  }
0x43: {  	_ =	shalt  }
0x44: {  	_ =	shalt  }
0x45: {  	_ =	shalt  }
0x46: {  	_ =	shalt  }
0x47: {  	_ =	shalt  }
0x48: {  	_ =	shalt  }
0x49: {  	_ =	shalt  }
0x4a: {  	_ =	shalt  }
0x4b: {  	_ =	shalt  }
0x4c: {  	_ =	shalt  }
0x4d: {  	_ =	shalt  }
0x4e: {  	_ =	shalt  }
0x4f: {  	_ =	shalt  }
0x50: {  	_ =	shalt  }
0x51: {  	_ =	shalt  }
0x52: {  	_ =	shalt  }
0x53: {  	_ =	shalt  }
0x54: {  	_ =	shalt  }
0x55: {  	_ =	shalt  }
0x56: {  	_ =	shalt  }
0x57: {  	_ =	shalt  }
0x58: {  	_ =	shalt  }
0x59: {  	_ =	shalt  }
0x5a: {  	_ =	shalt  }
0x5b: {  	_ =	shalt  }
0x5c: {  	_ =	shalt  }
0x5d: {  	_ =	shalt  }
0x5e: {  	_ =	shalt  }
0x5f: {  	_ =	shalt  }
0x60: {  	_ =	shalt  }
0x61: {  	_ =	shalt  }
0x62: {  	_ =	shalt  }
0x63: {  	_ =	shalt  }
0x64: {  	_ =	shalt  }
0x65: {  	_ =	shalt  }
0x66: {  	_ =	shalt  }
0x67: {  	_ =	shalt  }
0x68: {  	_ =	shalt  }
0x69: {  	_ =	shalt  }
0x6a: {  	_ =	shalt  }
0x6b: {  	_ =	shalt  }
0x6c: {  	_ =	shalt  }
0x6d: {  	_ =	shalt  }
0x6e: {  	_ =	shalt  }
0x6f: {  	_ =	shalt  }
0x70: {  	_ =	shalt  }
0x71: {  	_ =	shalt  }
0x72: {  	_ =	shalt  }
0x73: {  	_ =	shalt  }
0x74: {  	_ =	shalt  }
0x75: {  	_ =	shalt  }
0x76: {  	_ =	shalt  }
0x77: {  	_ =	shalt  }
0x78: {  	_ =	shalt  }
0x79: {  	_ =	shalt  }
0x7a: {  	_ =	shalt  }
0x7b: {  	_ =	shalt  }
0x7c: {  	_ =	shalt  }
0x7d: {  	_ =	shalt  }
0x7e: {  	_ =	shalt  }
0x7f: {  	_ =	shalt  }
0x80: {  	_ =	shalt  }
0x81: {  	_ =	shalt  }
0x82: {  	_ =	shalt  }
0x83: {  	_ =	shalt  }
0x84: {  	_ =	shalt  }
0x85: {  	_ =	shalt  }
0x86: {  	_ =	shalt  }
0x87: {  	_ =	shalt  }
.Lfunc_end0:
.L_simem_size_0:
called_computation.1_lowered:
.L_overlay_start_0:
0x88: {  	s2 =	sld [smem:$0x3FD9]  }
0x89: {  	s3 =	sld [smem:$0x3FFE];
	_ =	sdelay $0x1  }
0x8a: {  	s1 =	srdreg.scid  }
0x8b: {  	s0 =	sand.u32 $0x1, s1  }
0x8c: {  	s16 =	sshll.u32 s0, $0xA;
	s2 =	sadd.s32 s3, s2  }
0x8d: {  	s2 =	sadd.s32 s2, s16  }
0x8e: {  	[smem:$0x3FBA] =	sst s2  }
0x8f: {  	_ = 	snop  }
0x90: {  	(tm) =	ssettm $0x1  }
0x91: {  	s17 =	sld [smem:$0x3FFB];
	_ =	sdelay $0x3  }
0x92: {  	_ =	strace s17  }
0x93: {  	s2 =	sld [smem:$0x3FFC];
	_ =	sdelay $0x3  }
0x94: {  	_ =	strace s2  }
0x95: {  	s2 =	sld [smem:$0x3FFD];
	_ =	sdelay $0x3  }
0x96: {  	_ =	strace s2  }
0x97: {  	_ =	strace $0x8FFFFFFF  }
0x98: {  	s18 =	sld [smem:$0x3FDB];
	_ =	sdelay $0x1  }
0x99: {  	s19 =	simm.s32 $_scs_section_size  }
0x9a: {  	s4 =	simm.s32 $_size__tile_overlayer_lowered;
	s5 =	simm.s32 $_tile_overlayer_lowered  }
0x9b: {  	s22 =	simm.s32 $0x1BFF;
	s21 =	sshll.u32 s5, $0x1;
	s2 =	sadd.s32 s19, s18  }
0x9c: {  	s6 =	simm.s32 $0x0;
	s20 =	sshll.u32 s4, $0x1;
	s4 =	sadd.s32 s21, s2  }
0x9d: {  	[timem:s6], [sflag:s22] =	dma.local [hbm:s4], s20  }
0x9e: {  	_ =	swait.ge [sflag:s22], s20  }
0x9f: {  	s3 =	ssub.s32 $0x0, s20;
	[sflag:s22] =	ssyncset.done $0x0  }
0xa0: {  	[sflag:s22] =	ssyncadd.s32 s3;
	_ =	sdelay $0x1  }
0xa1: {  	s23 =	simm.s32 $0x1B8B  }
0xa2: {  	_ =	swait.ge [sflag:s23], $0x1  }
0xa3: {  	[sflag:s23] =	ssyncset.done $0x0  }
0xa4: {  	s25 =	simm.s32 $0x1B8E;
	s24 =	sld [smem:$0x3FFE];
	[sflag:s23] =	ssyncadd.s32 $0xFFFFFFFF  }
0xa5: {  	s26 =	simm.s32 $execute0_lowered;
	[smem:$0x3FD2] =	sst s25  }
0xa6: {  	s4 =	sshll.u32 s26, $0x1;
	_ =	strace $0x80000049;
	[dreg:$0x1] =	wrdreg $0xFFFFFFFF  }
0xa7: {  	s28 =	simm.s32 $_size_execute0_lowered;
	s2 =	sadd.s32 s2, s4;
	[dreg:$0x0] =	wrdreg $0x0  }
0xa8: {  	s4 =	sshll.u32 s28, $0x1;
	[dreg:$0x2] =	wrdreg s2  }
0xa9: {  	[dreg:$0x3] =	wrdreg s4  }
0xaa: {  	[dreg:$0x4] =	wrdreg $0xC0  }
0xab: {  	_ =	task [dreg:s6], $0x5FFFF  }
0xac: {  	[dreg:$0x1] =	wrdreg $0xFFFFFFFF  }
0xad: {  	[dreg:$0x0] =	wrdreg $0x60  }
0xae: {  	[dreg:$0x2] =	wrdreg s24  }
0xaf: {  	[dreg:$0x3] =	wrdreg $0x91000  }
0xb0: {  	[dreg:$0x4] =	wrdreg $0x9  }
0xb1: {  	_ =	task.clear_ibuf [dreg:s6], $0x5FFFF;
	_ =	strace $0x90000049  }
0xb2: {  	s29 =	simm.s32 $0x9;
	_ =	strace $0x8000004B  }
0xb3: {  	_ =	swait.ge [sflag:s29], $0x1  }
0xb4: {  	[sflag:s29] =	ssyncadd.s32 $0xFFFFFFFF  }
0xb5: {  	_ =	strace $0x9000004B  }
0xb6: {  	_ =	sfence  }
0xb7: {  	s30 =	sld [smem:$0x0];
	_ =	sdelay $0x2  }
0xb8: {  	s31 =	sshll.u32 s1, $0xD;
	s1 =	sshrl.u32 s1, $0x2  }
0xb9: {  	s3 =	sand.u32 $0x4000, s31;
	s1 =	sadd.s32 s1, s30  }
0xba: {  	s0 =	sor.u32 s3, s0;
	s1 =	sshll.u32 s1, $0x11  }
0xbb: {  	s0 =	sor.u32 s1, s0  }
0xbc: {  	s0 =	sadd.s32 $0x8F2B, s0  }
0xbd: {  	[sflag:s0] =	ssyncadd.remote.s32 $0x1  }
0xbe: {  	_ =	sfence.sel $0xFFFF  }
0xbf: {  	[dreg:$0x0] =	wrdreg $0xFFFFFFFF;
	(pc) =	sbr.abs _section_cstart, $3  }
0xc0: {  	[dreg:$0x1] =	wrdreg $0xFFFFFFFF  }
0xc1: {  	_ =	task.clear_ibuf [dreg:s6], $0x2FFFF;
	_ =	strace $0x9FFFFFFF  }
0xc2: {  	(tm) =	ssettm $0x7FFFFFFF  }
0xc3: {  	_ =	shalt  }
tec
execute0_lowered:
.L_overlay_start_1:
0x0: {  	(tag) =	ssettag $0x1  }
0x1: {  	s0 =	rddreg [dreg:$0x0]  }
0x2: {  	s2 =	rddreg [dreg:$0x1]  }
0x3: {  	s1 =	srdreg.scid;
	s15 =	stileid.u32  }
0x4: {  	s3 =	simm.s32 $0x0;
	s17 =	simm.s32 $0x5;
	s19 =	simm.s32 $0x80  }
0x5: {  	s20 =	simm.s32 $0x3;
	s21 =	simm.s32 $0x50;
	s30 =	simm.s32 $0x3F00  }
0x6: {  	s31 =	simm.s32 $0x0;
	s1 =	sand.u32 $0x1, s1;
	s9 =	smul.u32 $0x13C00, s15  }
0x7: {  	s4 =	sshll.u32 s15, $0x1;
	[smem:$0x7FF] =	sst s3;
	s11 =	smul.u32 $0x4F000, s15  }
0x8: {  	s5 =	sadd.s32 $0x1C00, s0;
	s12 =	smul.u32 $0x4E20, s15;
	s25 =	sshll.u32 s15, $0x6  }
0x9: {  	s7 =	sor.u32 s1, s4;
	s8 =	smul.u32 $0x13C000, s1;
	_ =	strace $0x8000004A  }
0xa: {  	s4 =	sadd.s32 $0x1BA00, s0;
	s22 =	ssub.s32 $0x2, s1;
	s1 =	smul.u32 $0x2710, s1  }
0xb: {  	s6 =	sshll.u32 s7, $0xB;
	s7 =	smul.u32 $0x2710, s7;
	s23 =	sshrl.u32 s22, $0x1  }
0xc: {  	s24 =	sshrl.u32 s11, $0x2;
	s10 =	sadd.s32 s6, s0;
	s6 =	sadd.s32 $0x42C00, s0  }
0xd: {  	s8 =	sadd.s32 s9, s8;
	s13 =	ssub.s32 s22, s23;
	s14 =	sadd.s32 s24, s2  }
0xe: {  	s1 =	sadd.s32 s1, s12;
	s22 =	simm.s32 $0x4100;
	s23 =	simm.s32 $0x4  }
0xf: {  	s24 =	simm.s32 $0x6900;
	s8 =	sshrl.u32 s8, $0x3;
	s26 =	sshrl.u32 s7, $0x3  }
0x10: {  	s7 =	sor.u32 $0x1C05, s25;
	s9 =	sadd.s32 $0xBA00, s10;
	s28 =	sadd.s32 $0xF0, s1  }
0x11: {  	s12 =	smax.u32 s13, $0x1;
	s18 =	sadd.s32 $0xA0, s1;
	s16 =	sshrl.u32 s14, $0x3  }
0x12: {  	s25 =	simm.s32 $0x1;
	s0 =	sadd.s32 s8, s0;
	s8 =	sadd.s32 s5, s26  }
0x13: {  	s29 =	sshrl.u32 s28, $0x3;
	s26 =	simm.s32 $0x2;
	s10 =	sadd.s32 $0xA, s8  }
0x14: {  	s11 =	sadd.s32 $0x45400, s0;
	s13 =	sadd.s32 $0x4D8, s8;
	s15 =	sadd.s32 s29, s5  }
.LBB2_1:
0x15: {  	[spmem:s16], [sflag:s7] =	dma.local [hbm:s6], $0x2780  }
0x16: {  	_ =	swait.ge [sflag:s17], $0x2780  }
0x17: {  	[sflag:s17] =	ssyncset.done $0x0  }
0x18: {  	s0 =	simm.s32 $0x100;
	[sflag:s17] =	ssyncadd.s32 $0xFFFFD880  }
0x19: {  	[tilespmem:s0], [sflag:$0x5] =	stream.linear.gather [hbm4b:s9+s3], $0x3E80, $0x38;
	[tilespmem:$0x1CD00] =	vst v63  }
0x1a: {  	_ =	swait.ge [sflag:s17], $0x3E80  }
0x1b: {  	[sflag:s17] =	ssyncset.done $0x0  }
0x1c: {  	[sflag:s17] =	ssyncadd.s32 $0xFFFFC180  }
0x1d: {  	[bflag:$0x0] =	sbarrier.arrive $0xFFFF  }
0x1e: {  	[tilespmem:s3], [sflag:$0x3] =	stream.linear.gather [hbm4b:s8+s3], $0x50, $0x38;
	[tilespmem:$0x1CD00] =	vst v63  }
0x1f: {  	_ = 	snop  }
0x20: {  	[tilespmem:s19], [sflag:$0x4] =	stream.linear.gather [hbm4b:s10+s3], $0x50, $0x38;
	[tilespmem:$0x1CD00] =	vst v63  }
0x21: {  	_ =	swait.ge [sflag:s20], $0x50  }
0x22: {  	[sflag:s20] =	ssyncset.done $0x0  }
0x23: {  	[sflag:s20] =	ssyncadd.s32 $0xFFFFFFB0  }
0x24: {  	[tilespmem:s22], [sflag:$0x1] =	stream.indirect.gather [hbm4b:s4+s21], $0x80, s3, s21, $0xb8;
	[tilespmem:$0x1CD00] =	vst v63  }
0x25: {  	_ =	swait.ge [sflag:s23], $0x50  }
0x26: {  	[sflag:s23] =	ssyncset.done $0x0  }
0x27: {  	[sflag:s23] =	ssyncadd.s32 $0xFFFFFFB0  }
0x28: {  	[tilespmem:s24], [sflag:$0x2] =	stream.indirect.gather [hbm4b:s4+s21], $0x80, s19, s21, $0xb8;
	[tilespmem:$0x1CD00] =	vst v63  }
0x29: {  	_ =	swait.ge [sflag:s25], $0x2800  }
0x2a: {  	s14 =	sshrl.u32 s18, $0x3;
	[sflag:s25] =	ssyncset.done $0x0  }
0x2b: {  	s0 =	sadd.s32 s5, s14;
	[sflag:s25] =	ssyncadd.s32 $0xFFFFD800  }
0x2c: {  	[tilespmem:s3], [sflag:$0x3] =	stream.linear.gather [hbm4b:s0+s3], $0x50, $0x38;
	[tilespmem:$0x1CD00] =	vst v63  }
0x2d: {  	s28 =	simm.s32 $0x100  }
0x2e: {  	[spmem:s2] =	stream.indirect.scatter.add.f32 [tilespmem:s22], [sflag:$0x5], $0x80, s28, s21, $0xb8;
	[tilespmem:$0x1CD00] =	vst v63  }
0x2f: {  	_ =	swait.ge [sflag:s17], $0x2800  }
0x30: {  	[sflag:s17] =	ssyncset.done $0x0  }
0x31: {  	[sflag:s17] =	ssyncadd.s32 $0xFFFFD800  }
0x32: {  	_ =	swait.ge [sflag:s20], $0x50  }
0x33: {  	[sflag:s20] =	ssyncset.done $0x0  }
0x34: {  	[sflag:s20] =	ssyncadd.s32 $0xFFFFFFB0  }
0x35: {  	[tilespmem:s22], [sflag:$0x1] =	stream.indirect.gather [hbm4b:s4+s21], $0x80, s3, s21, $0xb8;
	[tilespmem:$0x1CD00] =	vst v63  }
0x36: {  	_ =	swait.ge [sflag:s26], $0x2800  }
0x37: {  	[sflag:s26] =	ssyncset.done $0x0  }
0x38: {  	s29 =	sadd.s32 $0x0, s15;
	[sflag:s26] =	ssyncadd.s32 $0xFFFFD800  }
0x39: {  	[tilespmem:s19], [sflag:$0x4] =	stream.linear.gather [hbm4b:s29+s3], $0x50, $0x38;
	[tilespmem:$0x1CD00] =	vst v63  }
0x3a: {  	s0 =	simm.s32 $0x180  }
0x3b: {  	[spmem:s2] =	stream.indirect.scatter.add.f32 [tilespmem:s24], [sflag:$0x5], $0x80, s0, s21, $0xb8;
	[tilespmem:$0x1CD00] =	vst v63  }
0x3c: {  	_ =	swait.ge [sflag:s17], $0x2800  }
0x3d: {  	s1 =	simm.s32 $0x14;
	s14 =	smov.u32 s18;
	[sflag:s17] =	ssyncset.done $0x0  }
.LBB2_2:
0x3e: {  	[sflag:s17] =	ssyncadd.s32 $0xFFFFD800;
	s0 =	sadd.s32 $0x100, s0;
	s14 =	sadd.s32 $0xA0, s14  }
0x3f: {  	p0 =	sne.s32 s1, $0x4B0;
	s28 =	smov.u32 s1;
	s1 =	sadd.s32 $0x14, s1  }
0x40: {  	_ =	swait.ge [sflag:s23], $0x50  }
0x41: {  	[sflag:s23] =	ssyncset.done $0x0  }
0x42: {  	[sflag:s23] =	ssyncadd.s32 $0xFFFFFFB0  }
0x43: {  	[tilespmem:s24], [sflag:$0x2] =	stream.indirect.gather [hbm4b:s4+s21], $0x80, s19, s21, $0xb8;
	[tilespmem:$0x1CD00] =	vst v63  }
0x44: {  	_ =	swait.ge [sflag:s25], $0x2800  }
0x45: {  	s29 =	sshrl.u32 s14, $0x3;
	[sflag:s25] =	ssyncset.done $0x0  }
0x46: {  	s29 =	sadd.s32 s5, s29;
	[sflag:s25] =	ssyncadd.s32 $0xFFFFD800  }
0x47: {  	[tilespmem:s3], [sflag:$0x3] =	stream.linear.gather [hbm4b:s29+s3], $0x50, $0x38;
	[tilespmem:$0x1CD00] =	vst v63  }
0x48: {  	s29 =	sadd.s32 $0xFFFFFF80, s0  }
0x49: {  	[spmem:s2] =	stream.indirect.scatter.add.f32 [tilespmem:s22], [sflag:$0x5], $0x80, s29, s21, $0xb8;
	[tilespmem:$0x1CD00] =	vst v63  }
0x4a: {  	_ =	swait.ge [sflag:s17], $0x2800  }
0x4b: {  	[sflag:s17] =	ssyncset.done $0x0  }
0x4c: {  	[sflag:s17] =	ssyncadd.s32 $0xFFFFD800  }
0x4d: {  	_ =	swait.ge [sflag:s20], $0x50  }
0x4e: {  	[sflag:s20] =	ssyncset.done $0x0  }
0x4f: {  	[sflag:s20] =	ssyncadd.s32 $0xFFFFFFB0  }
0x50: {  	[tilespmem:s22], [sflag:$0x1] =	stream.indirect.gather [hbm4b:s4+s21], $0x80, s3, s21, $0xb8;
	[tilespmem:$0x1CD00] =	vst v63  }
0x51: {  	_ =	swait.ge [sflag:s26], $0x2800  }
0x52: {  	[sflag:s26] =	ssyncset.done $0x0  }
0x53: {  	s28 =	sadd.s32 s28, s15;
	[sflag:s26] =	ssyncadd.s32 $0xFFFFD800  }
0x54: {  	[tilespmem:s19], [sflag:$0x4] =	stream.linear.gather [hbm4b:s28+s3], $0x50, $0x38;
	[tilespmem:$0x1CD00] =	vst v63  }
.Ltmp0:
0x55: {  	_ = 	snop;
	(pc) =	sbr.rel @p0 .LBB2_2-.Ltmp0, $4  }
0x56: {  	_ = 	snop  }
0x57: {  	[spmem:s2] =	stream.indirect.scatter.add.f32 [tilespmem:s24], [sflag:$0x5], $0x80, s0, s21, $0xb8;
	[tilespmem:$0x1CD00] =	vst v63  }
0x58: {  	_ =	swait.ge [sflag:s17], $0x2800  }
0x59: {  	[sflag:s17] =	ssyncset.done $0x0  }
0x5a: {  	[sflag:s17] =	ssyncadd.s32 $0xFFFFD800  }
0x5b: {  	_ =	swait.ge [sflag:s23], $0x50  }
0x5c: {  	[sflag:s23] =	ssyncset.done $0x0  }
0x5d: {  	[sflag:s23] =	ssyncadd.s32 $0xFFFFFFB0  }
0x5e: {  	[tilespmem:s24], [sflag:$0x2] =	stream.indirect.gather [hbm4b:s4+s21], $0x80, s19, s21, $0xb8;
	[tilespmem:$0x1CD00] =	vst v63  }
0x5f: {  	_ =	swait.ge [sflag:s25], $0x2800  }
0x60: {  	[sflag:s25] =	ssyncset.done $0x0  }
0x61: {  	[sflag:s25] =	ssyncadd.s32 $0xFFFFD800  }
0x62: {  	[tilespmem:s3], [sflag:$0x3] =	stream.linear.gather [hbm4b:s13+s3], $0x50, $0x38;
	[tilespmem:$0x1CD00] =	vst v63  }
0x63: {  	s0 =	simm.s32 $0x3E00  }
0x64: {  	[spmem:s2] =	stream.indirect.scatter.add.f32 [tilespmem:s22], [sflag:$0x5], $0x80, s0, s21, $0xb8;
	[tilespmem:$0x1CD00] =	vst v63  }
0x65: {  	_ =	swait.ge [sflag:s17], $0x2800  }
0x66: {  	[sflag:s17] =	ssyncset.done $0x0  }
0x67: {  	[sflag:s17] =	ssyncadd.s32 $0xFFFFD800  }
0x68: {  	_ =	swait.ge [sflag:s20], $0x50  }
0x69: {  	[sflag:s20] =	ssyncset.done $0x0  }
0x6a: {  	[sflag:s20] =	ssyncadd.s32 $0xFFFFFFB0  }
0x6b: {  	[tilespmem:s22], [sflag:$0x1] =	stream.indirect.gather [hbm4b:s4+s21], $0x80, s3, s21, $0xb8;
	[tilespmem:$0x1CD00] =	vst v63  }
0x6c: {  	_ =	swait.ge [sflag:s26], $0x2800  }
0x6d: {  	[sflag:s26] =	ssyncset.done $0x0  }
0x6e: {  	[sflag:s26] =	ssyncadd.s32 $0xFFFFD800  }
0x6f: {  	[tilespmem:s19], [sflag:$0x4] =	stream.linear.gather [hbm4b:s13+s3], $0x50, $0x38;
	[tilespmem:$0x1CD00] =	vst v63  }
0x70: {  	s29 =	simm.s32 $0x3E80  }
0x71: {  	[spmem:s2] =	stream.indirect.scatter.add.f32 [tilespmem:s24], [sflag:$0x5], $0x80, s29, s21, $0xb8;
	[tilespmem:$0x1CD00] =	vst v63  }
0x72: {  	_ =	swait.ge [sflag:s17], $0x2800  }
0x73: {  	[sflag:s17] =	ssyncset.done $0x0  }
0x74: {  	[sflag:s17] =	ssyncadd.s32 $0xFFFFD800  }
0x75: {  	_ =	swait.ge [sflag:s23], $0x50  }
0x76: {  	[sflag:s23] =	ssyncset.done $0x0  }
0x77: {  	[sflag:s23] =	ssyncadd.s32 $0xFFFFFFB0  }
0x78: {  	_ =	swait.ge [sflag:s25], $0x2800  }
0x79: {  	[sflag:s25] =	ssyncset.done $0x0  }
0x7a: {  	[sflag:s25] =	ssyncadd.s32 $0xFFFFD800  }
0x7b: {  	[spmem:s2] =	stream.indirect.scatter.add.f32 [tilespmem:s22], [sflag:$0x5], $0x80, s30, s21, $0xb8;
	[tilespmem:$0x1CD00] =	vst v63  }
0x7c: {  	_ =	swait.ge [sflag:s17], $0x2800  }
0x7d: {  	s31 =	sadd.s32 $0x1, s31;
	[sflag:s17] =	ssyncset.done $0x0  }
0x7e: {  	p0 =	sne.s32 s31, s12;
	[sflag:s17] =	ssyncadd.s32 $0xFFFFD800  }
.Ltmp1:
0x7f: {  	[bflag:$0x0] =	sbarrier.arrive $0xFFFF;
	(pc) =	sbr.rel @p0 .LBB2_1-.Ltmp1, $4  }
0x80: {  	[hbm:s11], [sflag:s7] =	dma.local [spmem:s16], $0x2780  }
0x81: {  	_ =	swait.ge [sflag:s17], $0x2780  }
0x82: {  	[sflag:s17] =	ssyncset.done $0x0  }
0x83: {  	[sflag:s17] =	ssyncadd.s32 $0xFFFFD880  }
0x84: {  	_ =	sfence.sel $0x180000  }
0x85: {  	[bflag:$0x0] =	sbarrier.arrive $0xFFFF  }
0x86: {  	_ =	strace $0x9000004A  }
0x87: {  	s0 =	stileid.u32;
	[bflag:$0x2] =	sbarrier.arrive $0xFFFF  }
0x88: {  	p0 =	sne.s32 s0, $0x0;
	s0 =	rddreg [dreg:$0x2]  }
0x89: {  	s0 =	sadd.s32 @!p0 $0x100000, s0  }
0x8a: {  	[sflag:s0] =	ssyncadd.tile.s32 @!p0 $0x1;
	_ =	shalt  }
.Lfunc_end2:
_tile_overlayer_lowered:
.L_overlay_start_2:
0x8b: {  	(tag) =	ssettag $0x2  }
0x8c: {  	s0 =	rddreg [dreg:$0x0];
	s2 =	stileid.u32  }
0x8d: {  	s1 =	rddreg [dreg:$0x1];
	p0 =	sne.s32 s2, $0x0  }
0x8e: {  	s3 =	rddreg [dreg:$0x2];
	[bflag:$0x3] =	sbarrier.arrive $0xFFFF;
	s2 =	simm.s32 @!p0 $0x1C05  }
0x8f: {  	[timem:s3], [sflag:s2] =	dma.local @!p0 [hbm:s0], s1  }
0x90: {  	s0 =	simm.s32 @!p0 $0x5  }
0x91: {  	_ =	swait.ge @!p0 [sflag:s0], s1  }
0x92: {  	s1 =	ssub.s32 @!p0 $0x0, s1;
	[sflag:s0] =	ssyncset.done @!p0 $0x0  }
0x93: {  	[sflag:s0] =	ssyncadd.s32 @!p0 s1  }
0x94: {  	[bflag:$0x3] =	sbarrier.arrive $0xFFFF  }
0x95: {  	_ =	shalt  }

// kernel: kernel.7.cloned.1.call-start
scs
__scs_entry_jumppad:
0x0: {  	(pc) =	sbr.rel $0x88, $3  }
0x1: {  	(tag) =	ssettag $0x0;
	lr =	simm.s32 $0x1  }
0x2: {  	[smem:$0x3F93] =	sst lr;
	_ =	strace $0xD0000000  }
0x3: {  	_ = 	snop  }
0x4: {  	_ = 	snop  }
0x5: {  	_ = 	snop  }
0x6: {  	_ = 	snop  }
0x7: {  	_ = 	snop  }
__scs_overlays_trampoline_lowered:
0x8: {  	[smem:$0x3FA2] =	sst s0  }
0x9: {  	[smem:$0x3FA3] =	sst s1  }
0xa: {  	[smem:$0x3FA4] =	sst s2  }
0xb: {  	[smem:$0x3FA5] =	sst s3  }
0xc: {  	[smem:$0x3FA6] =	sst s4  }
0xd: {  	[smem:$0x3FA7] =	sst s5  }
0xe: {  	[smem:$0x3FA8] =	sst s6  }
0xf: {  	[smem:$0x3FA9] =	sst s7  }
0x10: {  	[smem:$0x3FAA] =	sst s8  }
0x11: {  	[smem:$0x3FAB] =	sst s9;
	s0 =	simm.s32 @!p0 $0x0  }
0x12: {  	s1 =	sld [smem:$0x3F91];
	s0 =	simm.s32 @p0 $0x1  }
0x13: {  	[smem:$0x3FAC] =	sst s0;
	s0 =	simm.s32 @!p1 $0x0  }
0x14: {  	s2 =	sld [smem:$0x3F90];
	s0 =	simm.s32 @p1 $0x1  }
0x15: {  	[smem:$0x3FAD] =	sst s0;
	s0 =	simm.s32 @!p2 $0x0  }
0x16: {  	s3 =	sld [smem:$0x3FDB];
	s0 =	simm.s32 @p2 $0x1  }
0x17: {  	s4 =	simm.s32 $0x1BF5;
	[smem:$0x3FAF] =	sst s0  }
0x18: {  	s0 =	sld [smem:$0x3F92];
	_ =	swait.ge [sflag:s4], $0x0  }
0x19: {  	s7 =	sld [smem:$0x3F93]  }
0x1a: {  	s8 =	sadd.s32 $0xFFFFE003, lr  }
0x1b: {  	s9 =	sadd.s32 $0xFFFFFEF7, lr;
	s5 =	simm.s32 $0xFFFFFFFF;
	p2 =	slt.u32 s8, $0xFFFFF086  }
0x1c: {  	p1 =	slt.u32 s9, $0xF7A;
	s5 =	simm.s32 @!p2 $0x0  }
0x1d: {  	s5 =	simm.s32 @p1 $0x1;
	p0 =	seq.s32 s7, s2  }
0x1e: {  	s7 =	smul.u32 @!p0 $0xF7A, s2;
	p2 =	seq.s32 @!p0 s5, $0x0  }
0x1f: {  	s9 =	smul.u32 $0xF7A, s1;
	s8 =	simm.s32 @!p0 $0x1BF5;
	p2 =	por !p2, p0  }
0x20: {  	[sflag:s8] =	ssyncset.s32 @!p0 $0xFFFFF086;
	s6 =	sadd.s32 @!p0 s3, s7;
	s7 =	simm.s32 @!p0 $0x108  }
0x21: {  	s3 =	sadd.s32 s3, s9;
	s6 =	sadd.s32 @!p0 $0x88, s6;
	s7 =	simm.s32 @p2 $0x1082  }
0x22: {  	[simem:s7], [sflag:s8] =	dma.local @!p0 [hbm:s6], $0xF7A  }
0x23: {  	s9 =	sor.u32 $0xD0000000, s2;
	s6 =	simm.s32 $0x108;
	_ =	swait.ge @!p0 [sflag:s8], $0x0  }
0x24: {  	s3 =	sadd.s32 $0x88, s3;
	s6 =	simm.s32 @!p1 $0x1082;
	[sflag:s4] =	ssyncset.s32 $0xFFFFF086  }
0x25: {  	[simem:s6], [sflag:s4] =	dma.local [hbm:s3], $0xF7A  }
0x26: {  	[smem:$0x3F93] =	sst s1;
	(tag) =	ssettag s2;
	_ =	strace s9  }
0x27: {  	s1 =	sld [smem:$0x3FA3]  }
0x28: {  	s2 =	sld [smem:$0x3FA4]  }
0x29: {  	s4 =	sld [smem:$0x3FA6]  }
0x2a: {  	p0 =	seq.s32 s5, $0x0;
	s5 =	sld [smem:$0x3FA7]  }
0x2b: {  	s6 =	sld [smem:$0x3FA8]  }
0x2c: {  	s7 =	sld [smem:$0x3FA9]  }
0x2d: {  	s3 =	simm.s32 $0x108;
	s8 =	sld [smem:$0x3FAA]  }
0x2e: {  	s3 =	simm.s32 @!p0 $0x1082;
	s9 =	sld [smem:$0x3FAB]  }
0x2f: {  	lr =	sadd.s32 s0, s3;
	s0 =	sld [smem:$0x3FA2]  }
0x30: {  	s3 =	sld [smem:$0x3FA5]  }
0x31: {  	[smem:$0x3FAE] =	sst s10  }
0x32: {  	s10 =	sld [smem:$0x3FAC];
	_ =	sdelay $0x3  }
0x33: {  	p0 =	seq.s32 s10, $0x1;
	s10 =	sld [smem:$0x3FAE];
	_ =	sdelay $0x3  }
0x34: {  	[smem:$0x3FAE] =	sst s10  }
0x35: {  	s10 =	sld [smem:$0x3FAD];
	_ =	sdelay $0x3  }
0x36: {  	p1 =	seq.s32 s10, $0x1;
	s10 =	sld [smem:$0x3FAE];
	_ =	sdelay $0x3  }
0x37: {  	[smem:$0x3FAE] =	sst s10  }
0x38: {  	s10 =	sld [smem:$0x3FAF]  }
0x39: {  	_ = 	snop;
	(pc) =	sbr.ind lr, $3  }
0x3a: {  	_ = 	snop  }
0x3b: {  	_ = 	snop  }
0x3c: {  	p2 =	seq.s32 s10, $0x1;
	s10 =	sld [smem:$0x3FAE]  }
0x3d: {  	_ =	shalt  }
0x3e: {  	_ =	shalt  }
0x3f: {  	_ =	shalt  }
0x40: {  	_ =	shalt  }
0x41: {  	_ =	shalt  }
0x42: {  	_ =	shalt  }
0x43: {  	_ =	shalt  }
0x44: {  	_ =	shalt  }
0x45: {  	_ =	shalt  }
0x46: {  	_ =	shalt  }
0x47: {  	_ =	shalt  }
0x48: {  	_ =	shalt  }
0x49: {  	_ =	shalt  }
0x4a: {  	_ =	shalt  }
0x4b: {  	_ =	shalt  }
0x4c: {  	_ =	shalt  }
0x4d: {  	_ =	shalt  }
0x4e: {  	_ =	shalt  }
0x4f: {  	_ =	shalt  }
0x50: {  	_ =	shalt  }
0x51: {  	_ =	shalt  }
0x52: {  	_ =	shalt  }
0x53: {  	_ =	shalt  }
0x54: {  	_ =	shalt  }
0x55: {  	_ =	shalt  }
0x56: {  	_ =	shalt  }
0x57: {  	_ =	shalt  }
0x58: {  	_ =	shalt  }
0x59: {  	_ =	shalt  }
0x5a: {  	_ =	shalt  }
0x5b: {  	_ =	shalt  }
0x5c: {  	_ =	shalt  }
0x5d: {  	_ =	shalt  }
0x5e: {  	_ =	shalt  }
0x5f: {  	_ =	shalt  }
0x60: {  	_ =	shalt  }
0x61: {  	_ =	shalt  }
0x62: {  	_ =	shalt  }
0x63: {  	_ =	shalt  }
0x64: {  	_ =	shalt  }
0x65: {  	_ =	shalt  }
0x66: {  	_ =	shalt  }
0x67: {  	_ =	shalt  }
0x68: {  	_ =	shalt  }
0x69: {  	_ =	shalt  }
0x6a: {  	_ =	shalt  }
0x6b: {  	_ =	shalt  }
0x6c: {  	_ =	shalt  }
0x6d: {  	_ =	shalt  }
0x6e: {  	_ =	shalt  }
0x6f: {  	_ =	shalt  }
0x70: {  	_ =	shalt  }
0x71: {  	_ =	shalt  }
0x72: {  	_ =	shalt  }
0x73: {  	_ =	shalt  }
0x74: {  	_ =	shalt  }
0x75: {  	_ =	shalt  }
0x76: {  	_ =	shalt  }
0x77: {  	_ =	shalt  }
0x78: {  	_ =	shalt  }
0x79: {  	_ =	shalt  }
0x7a: {  	_ =	shalt  }
0x7b: {  	_ =	shalt  }
0x7c: {  	_ =	shalt  }
0x7d: {  	_ =	shalt  }
0x7e: {  	_ =	shalt  }
0x7f: {  	_ =	shalt  }
0x80: {  	_ =	shalt  }
0x81: {  	_ =	shalt  }
0x82: {  	_ =	shalt  }
0x83: {  	_ =	shalt  }
0x84: {  	_ =	shalt  }
0x85: {  	_ =	shalt  }
0x86: {  	_ =	shalt  }
0x87: {  	_ =	shalt  }
.Lfunc_end0:
.L_simem_size_0:
called_computation_lowered:
.L_overlay_start_0:
0x88: {  	s2 =	sld [smem:$0x3FD9]  }
0x89: {  	s3 =	sld [smem:$0x3FFE];
	_ =	sdelay $0x1  }
0x8a: {  	s1 =	srdreg.scid  }
0x8b: {  	s0 =	sand.u32 $0x1, s1  }
0x8c: {  	s16 =	sshll.u32 s0, $0xA;
	s2 =	sadd.s32 s3, s2  }
0x8d: {  	s2 =	sadd.s32 s2, s16  }
0x8e: {  	[smem:$0x3FBA] =	sst s2  }
0x8f: {  	_ = 	snop  }
0x90: {  	(tm) =	ssettm $0x1  }
0x91: {  	s17 =	sld [smem:$0x3FFB];
	_ =	sdelay $0x3  }
0x92: {  	_ =	strace s17  }
0x93: {  	s2 =	sld [smem:$0x3FFC];
	_ =	sdelay $0x3  }
0x94: {  	_ =	strace s2  }
0x95: {  	s2 =	sld [smem:$0x3FFD];
	_ =	sdelay $0x3  }
0x96: {  	_ =	strace s2  }
0x97: {  	_ =	strace $0x8FFFFFFF  }
0x98: {  	s18 =	sld [smem:$0x3FDB];
	_ =	sdelay $0x1  }
0x99: {  	s19 =	simm.s32 $_scs_section_size  }
0x9a: {  	s4 =	simm.s32 $_size__tile_overlayer_lowered;
	s5 =	simm.s32 $_tile_overlayer_lowered  }
0x9b: {  	s22 =	simm.s32 $0x1BFF;
	s21 =	sshll.u32 s5, $0x1;
	s2 =	sadd.s32 s19, s18  }
0x9c: {  	s6 =	simm.s32 $0x0;
	s20 =	sshll.u32 s4, $0x1;
	s4 =	sadd.s32 s21, s2  }
0x9d: {  	[timem:s6], [sflag:s22] =	dma.local [hbm:s4], s20  }
0x9e: {  	_ =	swait.ge [sflag:s22], s20  }
0x9f: {  	s3 =	ssub.s32 $0x0, s20;
	[sflag:s22] =	ssyncset.done $0x0  }
0xa0: {  	[sflag:s22] =	ssyncadd.s32 s3;
	_ =	sdelay $0x1  }
0xa1: {  	s23 =	simm.s32 $0x1B8B  }
0xa2: {  	_ =	swait.ge [sflag:s23], $0x1  }
0xa3: {  	[sflag:s23] =	ssyncset.done $0x0  }
0xa4: {  	s25 =	simm.s32 $0x1B8E;
	s24 =	sld [smem:$0x3FFE];
	[sflag:s23] =	ssyncadd.s32 $0xFFFFFFFF  }
0xa5: {  	s26 =	simm.s32 $execute0_lowered;
	[smem:$0x3FD2] =	sst s25  }
0xa6: {  	s4 =	sshll.u32 s26, $0x1;
	_ =	strace $0x80000046;
	[dreg:$0x1] =	wrdreg $0xFFFFFFFF  }
0xa7: {  	s28 =	simm.s32 $_size_execute0_lowered;
	s2 =	sadd.s32 s2, s4;
	[dreg:$0x0] =	wrdreg $0x0  }
0xa8: {  	s4 =	sshll.u32 s28, $0x1;
	[dreg:$0x2] =	wrdreg s2  }
0xa9: {  	[dreg:$0x3] =	wrdreg s4  }
0xaa: {  	[dreg:$0x4] =	wrdreg $0xC0  }
0xab: {  	_ =	task [dreg:s6], $0x5FFFF  }
0xac: {  	[dreg:$0x1] =	wrdreg $0xFFFFFFFF  }
0xad: {  	[dreg:$0x0] =	wrdreg $0x60  }
0xae: {  	[dreg:$0x2] =	wrdreg s24  }
0xaf: {  	[dreg:$0x3] =	wrdreg $0x91000  }
0xb0: {  	[dreg:$0x4] =	wrdreg $0x9  }
0xb1: {  	_ =	task.clear_ibuf [dreg:s6], $0x5FFFF;
	_ =	strace $0x90000046  }
0xb2: {  	s29 =	simm.s32 $0x9;
	_ =	strace $0x80000048  }
0xb3: {  	_ =	swait.ge [sflag:s29], $0x1  }
0xb4: {  	[sflag:s29] =	ssyncadd.s32 $0xFFFFFFFF  }
0xb5: {  	_ =	strace $0x90000048  }
0xb6: {  	_ =	sfence  }
0xb7: {  	s30 =	sld [smem:$0x0];
	_ =	sdelay $0x2  }
0xb8: {  	s31 =	sshll.u32 s1, $0xD;
	s1 =	sshrl.u32 s1, $0x2  }
0xb9: {  	s3 =	sand.u32 $0x4000, s31;
	s1 =	sadd.s32 s1, s30  }
0xba: {  	s0 =	sor.u32 s3, s0;
	s1 =	sshll.u32 s1, $0x11  }
0xbb: {  	s0 =	sor.u32 s1, s0  }
0xbc: {  	s0 =	sadd.s32 $0x8F2B, s0  }
0xbd: {  	[sflag:s0] =	ssyncadd.remote.s32 $0x1  }
0xbe: {  	_ =	sfence.sel $0xFFFF  }
0xbf: {  	[dreg:$0x0] =	wrdreg $0xFFFFFFFF;
	(pc) =	sbr.abs _section_cstart, $3  }
0xc0: {  	[dreg:$0x1] =	wrdreg $0xFFFFFFFF  }
0xc1: {  	_ =	task.clear_ibuf [dreg:s6], $0x2FFFF;
	_ =	strace $0x9FFFFFFF  }
0xc2: {  	(tm) =	ssettm $0x7FFFFFFF  }
0xc3: {  	_ =	shalt  }
tec
execute0_lowered:
.L_overlay_start_1:
0x0: {  	(tag) =	ssettag $0x1  }
0x1: {  	s0 =	rddreg [dreg:$0x0]  }
0x2: {  	s2 =	rddreg [dreg:$0x1]  }
0x3: {  	s1 =	srdreg.scid;
	s15 =	stileid.u32  }
0x4: {  	s3 =	simm.s32 $0x0;
	s17 =	simm.s32 $0x5;
	s19 =	simm.s32 $0x80  }
0x5: {  	s20 =	simm.s32 $0x3;
	s21 =	simm.s32 $0x50;
	s30 =	simm.s32 $0x3F00  }
0x6: {  	s31 =	simm.s32 $0x0;
	s1 =	sand.u32 $0x1, s1;
	s9 =	smul.u32 $0x13C00, s15  }
0x7: {  	s4 =	sshll.u32 s15, $0x1;
	[smem:$0x7FF] =	sst s3;
	s11 =	smul.u32 $0x4F000, s15  }
0x8: {  	s5 =	sadd.s32 $0x1C00, s0;
	s12 =	smul.u32 $0x4E20, s15;
	s25 =	sshll.u32 s15, $0x6  }
0x9: {  	s7 =	sor.u32 s1, s4;
	s8 =	smul.u32 $0x13C000, s1;
	_ =	strace $0x80000047  }
0xa: {  	s4 =	sadd.s32 $0x1BA00, s0;
	s22 =	ssub.s32 $0x2, s1;
	s1 =	smul.u32 $0x2710, s1  }
0xb: {  	s6 =	sshll.u32 s7, $0xB;
	s7 =	smul.u32 $0x2710, s7;
	s23 =	sshrl.u32 s22, $0x1  }
0xc: {  	s24 =	sshrl.u32 s11, $0x2;
	s10 =	sadd.s32 s6, s0;
	s6 =	sadd.s32 $0x42C00, s0  }
0xd: {  	s8 =	sadd.s32 s9, s8;
	s13 =	ssub.s32 s22, s23;
	s14 =	sadd.s32 s24, s2  }
0xe: {  	s1 =	sadd.s32 s1, s12;
	s22 =	simm.s32 $0x4100;
	s23 =	simm.s32 $0x4  }
0xf: {  	s24 =	simm.s32 $0x6900;
	s8 =	sshrl.u32 s8, $0x3;
	s26 =	sshrl.u32 s7, $0x3  }
0x10: {  	s7 =	sor.u32 $0x1C05, s25;
	s9 =	sadd.s32 $0xBA00, s10;
	s28 =	sadd.s32 $0xF0, s1  }
0x11: {  	s12 =	smax.u32 s13, $0x1;
	s18 =	sadd.s32 $0xA0, s1;
	s16 =	sshrl.u32 s14, $0x3  }
0x12: {  	s25 =	simm.s32 $0x1;
	s0 =	sadd.s32 s8, s0;
	s8 =	sadd.s32 s5, s26  }
0x13: {  	s29 =	sshrl.u32 s28, $0x3;
	s26 =	simm.s32 $0x2;
	s10 =	sadd.s32 $0xA, s8  }
0x14: {  	s11 =	sadd.s32 $0x45400, s0;
	s13 =	sadd.s32 $0x4D8, s8;
	s15 =	sadd.s32 s29, s5  }
.LBB2_1:
0x15: {  	[spmem:s16], [sflag:s7] =	dma.local [hbm:s6], $0x2780  }
0x16: {  	_ =	swait.ge [sflag:s17], $0x2780  }
0x17: {  	[sflag:s17] =	ssyncset.done $0x0  }
0x18: {  	s0 =	simm.s32 $0x100;
	[sflag:s17] =	ssyncadd.s32 $0xFFFFD880  }
0x19: {  	[tilespmem:s0], [sflag:$0x5] =	stream.linear.gather [hbm4b:s9+s3], $0x3E80, $0x38;
	[tilespmem:$0x1CD00] =	vst v63  }
0x1a: {  	_ =	swait.ge [sflag:s17], $0x3E80  }
0x1b: {  	[sflag:s17] =	ssyncset.done $0x0  }
0x1c: {  	[sflag:s17] =	ssyncadd.s32 $0xFFFFC180  }
0x1d: {  	[bflag:$0x0] =	sbarrier.arrive $0xFFFF  }
0x1e: {  	[tilespmem:s3], [sflag:$0x3] =	stream.linear.gather [hbm4b:s8+s3], $0x50, $0x38;
	[tilespmem:$0x1CD00] =	vst v63  }
0x1f: {  	_ = 	snop  }
0x20: {  	[tilespmem:s19], [sflag:$0x4] =	stream.linear.gather [hbm4b:s10+s3], $0x50, $0x38;
	[tilespmem:$0x1CD00] =	vst v63  }
0x21: {  	_ =	swait.ge [sflag:s20], $0x50  }
0x22: {  	[sflag:s20] =	ssyncset.done $0x0  }
0x23: {  	[sflag:s20] =	ssyncadd.s32 $0xFFFFFFB0  }
0x24: {  	[tilespmem:s22], [sflag:$0x1] =	stream.indirect.gather [hbm4b:s4+s21], $0x80, s3, s21, $0xb8;
	[tilespmem:$0x1CD00] =	vst v63  }
0x25: {  	_ =	swait.ge [sflag:s23], $0x50  }
0x26: {  	[sflag:s23] =	ssyncset.done $0x0  }
0x27: {  	[sflag:s23] =	ssyncadd.s32 $0xFFFFFFB0  }
0x28: {  	[tilespmem:s24], [sflag:$0x2] =	stream.indirect.gather [hbm4b:s4+s21], $0x80, s19, s21, $0xb8;
	[tilespmem:$0x1CD00] =	vst v63  }
0x29: {  	_ =	swait.ge [sflag:s25], $0x2800  }
0x2a: {  	s14 =	sshrl.u32 s18, $0x3;
	[sflag:s25] =	ssyncset.done $0x0  }
0x2b: {  	s0 =	sadd.s32 s5, s14;
	[sflag:s25] =	ssyncadd.s32 $0xFFFFD800  }
0x2c: {  	[tilespmem:s3], [sflag:$0x3] =	stream.linear.gather [hbm4b:s0+s3], $0x50, $0x38;
	[tilespmem:$0x1CD00] =	vst v63  }
0x2d: {  	s28 =	simm.s32 $0x100  }
0x2e: {  	[spmem:s2] =	stream.indirect.scatter.add.f32 [tilespmem:s22], [sflag:$0x5], $0x80, s28, s21, $0xb8;
	[tilespmem:$0x1CD00] =	vst v63  }
0x2f: {  	_ =	swait.ge [sflag:s17], $0x2800  }
0x30: {  	[sflag:s17] =	ssyncset.done $0x0  }
0x31: {  	[sflag:s17] =	ssyncadd.s32 $0xFFFFD800  }
0x32: {  	_ =	swait.ge [sflag:s20], $0x50  }
0x33: {  	[sflag:s20] =	ssyncset.done $0x0  }
0x34: {  	[sflag:s20] =	ssyncadd.s32 $0xFFFFFFB0  }
0x35: {  	[tilespmem:s22], [sflag:$0x1] =	stream.indirect.gather [hbm4b:s4+s21], $0x80, s3, s21, $0xb8;
	[tilespmem:$0x1CD00] =	vst v63  }
0x36: {  	_ =	swait.ge [sflag:s26], $0x2800  }
0x37: {  	[sflag:s26] =	ssyncset.done $0x0  }
0x38: {  	s29 =	sadd.s32 $0x0, s15;
	[sflag:s26] =	ssyncadd.s32 $0xFFFFD800  }
0x39: {  	[tilespmem:s19], [sflag:$0x4] =	stream.linear.gather [hbm4b:s29+s3], $0x50, $0x38;
	[tilespmem:$0x1CD00] =	vst v63  }
0x3a: {  	s0 =	simm.s32 $0x180  }
0x3b: {  	[spmem:s2] =	stream.indirect.scatter.add.f32 [tilespmem:s24], [sflag:$0x5], $0x80, s0, s21, $0xb8;
	[tilespmem:$0x1CD00] =	vst v63  }
0x3c: {  	_ =	swait.ge [sflag:s17], $0x2800  }
0x3d: {  	s1 =	simm.s32 $0x14;
	s14 =	smov.u32 s18;
	[sflag:s17] =	ssyncset.done $0x0  }
.LBB2_2:
0x3e: {  	[sflag:s17] =	ssyncadd.s32 $0xFFFFD800;
	s0 =	sadd.s32 $0x100, s0;
	s14 =	sadd.s32 $0xA0, s14  }
0x3f: {  	p0 =	sne.s32 s1, $0x4B0;
	s28 =	smov.u32 s1;
	s1 =	sadd.s32 $0x14, s1  }
0x40: {  	_ =	swait.ge [sflag:s23], $0x50  }
0x41: {  	[sflag:s23] =	ssyncset.done $0x0  }
0x42: {  	[sflag:s23] =	ssyncadd.s32 $0xFFFFFFB0  }
0x43: {  	[tilespmem:s24], [sflag:$0x2] =	stream.indirect.gather [hbm4b:s4+s21], $0x80, s19, s21, $0xb8;
	[tilespmem:$0x1CD00] =	vst v63  }
0x44: {  	_ =	swait.ge [sflag:s25], $0x2800  }
0x45: {  	s29 =	sshrl.u32 s14, $0x3;
	[sflag:s25] =	ssyncset.done $0x0  }
0x46: {  	s29 =	sadd.s32 s5, s29;
	[sflag:s25] =	ssyncadd.s32 $0xFFFFD800  }
0x47: {  	[tilespmem:s3], [sflag:$0x3] =	stream.linear.gather [hbm4b:s29+s3], $0x50, $0x38;
	[tilespmem:$0x1CD00] =	vst v63  }
0x48: {  	s29 =	sadd.s32 $0xFFFFFF80, s0  }
0x49: {  	[spmem:s2] =	stream.indirect.scatter.add.f32 [tilespmem:s22], [sflag:$0x5], $0x80, s29, s21, $0xb8;
	[tilespmem:$0x1CD00] =	vst v63  }
0x4a: {  	_ =	swait.ge [sflag:s17], $0x2800  }
0x4b: {  	[sflag:s17] =	ssyncset.done $0x0  }
0x4c: {  	[sflag:s17] =	ssyncadd.s32 $0xFFFFD800  }
0x4d: {  	_ =	swait.ge [sflag:s20], $0x50  }
0x4e: {  	[sflag:s20] =	ssyncset.done $0x0  }
0x4f: {  	[sflag:s20] =	ssyncadd.s32 $0xFFFFFFB0  }
0x50: {  	[tilespmem:s22], [sflag:$0x1] =	stream.indirect.gather [hbm4b:s4+s21], $0x80, s3, s21, $0xb8;
	[tilespmem:$0x1CD00] =	vst v63  }
0x51: {  	_ =	swait.ge [sflag:s26], $0x2800  }
0x52: {  	[sflag:s26] =	ssyncset.done $0x0  }
0x53: {  	s28 =	sadd.s32 s28, s15;
	[sflag:s26] =	ssyncadd.s32 $0xFFFFD800  }
0x54: {  	[tilespmem:s19], [sflag:$0x4] =	stream.linear.gather [hbm4b:s28+s3], $0x50, $0x38;
	[tilespmem:$0x1CD00] =	vst v63  }
.Ltmp0:
0x55: {  	_ = 	snop;
	(pc) =	sbr.rel @p0 .LBB2_2-.Ltmp0, $4  }
0x56: {  	_ = 	snop  }
0x57: {  	[spmem:s2] =	stream.indirect.scatter.add.f32 [tilespmem:s24], [sflag:$0x5], $0x80, s0, s21, $0xb8;
	[tilespmem:$0x1CD00] =	vst v63  }
0x58: {  	_ =	swait.ge [sflag:s17], $0x2800  }
0x59: {  	[sflag:s17] =	ssyncset.done $0x0  }
0x5a: {  	[sflag:s17] =	ssyncadd.s32 $0xFFFFD800  }
0x5b: {  	_ =	swait.ge [sflag:s23], $0x50  }
0x5c: {  	[sflag:s23] =	ssyncset.done $0x0  }
0x5d: {  	[sflag:s23] =	ssyncadd.s32 $0xFFFFFFB0  }
0x5e: {  	[tilespmem:s24], [sflag:$0x2] =	stream.indirect.gather [hbm4b:s4+s21], $0x80, s19, s21, $0xb8;
	[tilespmem:$0x1CD00] =	vst v63  }
0x5f: {  	_ =	swait.ge [sflag:s25], $0x2800  }
0x60: {  	[sflag:s25] =	ssyncset.done $0x0  }
0x61: {  	[sflag:s25] =	ssyncadd.s32 $0xFFFFD800  }
0x62: {  	[tilespmem:s3], [sflag:$0x3] =	stream.linear.gather [hbm4b:s13+s3], $0x50, $0x38;
	[tilespmem:$0x1CD00] =	vst v63  }
0x63: {  	s0 =	simm.s32 $0x3E00  }
0x64: {  	[spmem:s2] =	stream.indirect.scatter.add.f32 [tilespmem:s22], [sflag:$0x5], $0x80, s0, s21, $0xb8;
	[tilespmem:$0x1CD00] =	vst v63  }
0x65: {  	_ =	swait.ge [sflag:s17], $0x2800  }
0x66: {  	[sflag:s17] =	ssyncset.done $0x0  }
0x67: {  	[sflag:s17] =	ssyncadd.s32 $0xFFFFD800  }
0x68: {  	_ =	swait.ge [sflag:s20], $0x50  }
0x69: {  	[sflag:s20] =	ssyncset.done $0x0  }
0x6a: {  	[sflag:s20] =	ssyncadd.s32 $0xFFFFFFB0  }
0x6b: {  	[tilespmem:s22], [sflag:$0x1] =	stream.indirect.gather [hbm4b:s4+s21], $0x80, s3, s21, $0xb8;
	[tilespmem:$0x1CD00] =	vst v63  }
0x6c: {  	_ =	swait.ge [sflag:s26], $0x2800  }
0x6d: {  	[sflag:s26] =	ssyncset.done $0x0  }
0x6e: {  	[sflag:s26] =	ssyncadd.s32 $0xFFFFD800  }
0x6f: {  	[tilespmem:s19], [sflag:$0x4] =	stream.linear.gather [hbm4b:s13+s3], $0x50, $0x38;
	[tilespmem:$0x1CD00] =	vst v63  }
0x70: {  	s29 =	simm.s32 $0x3E80  }
0x71: {  	[spmem:s2] =	stream.indirect.scatter.add.f32 [tilespmem:s24], [sflag:$0x5], $0x80, s29, s21, $0xb8;
	[tilespmem:$0x1CD00] =	vst v63  }
0x72: {  	_ =	swait.ge [sflag:s17], $0x2800  }
0x73: {  	[sflag:s17] =	ssyncset.done $0x0  }
0x74: {  	[sflag:s17] =	ssyncadd.s32 $0xFFFFD800  }
0x75: {  	_ =	swait.ge [sflag:s23], $0x50  }
0x76: {  	[sflag:s23] =	ssyncset.done $0x0  }
0x77: {  	[sflag:s23] =	ssyncadd.s32 $0xFFFFFFB0  }
0x78: {  	_ =	swait.ge [sflag:s25], $0x2800  }
0x79: {  	[sflag:s25] =	ssyncset.done $0x0  }
0x7a: {  	[sflag:s25] =	ssyncadd.s32 $0xFFFFD800  }
0x7b: {  	[spmem:s2] =	stream.indirect.scatter.add.f32 [tilespmem:s22], [sflag:$0x5], $0x80, s30, s21, $0xb8;
	[tilespmem:$0x1CD00] =	vst v63  }
0x7c: {  	_ =	swait.ge [sflag:s17], $0x2800  }
0x7d: {  	s31 =	sadd.s32 $0x1, s31;
	[sflag:s17] =	ssyncset.done $0x0  }
0x7e: {  	p0 =	sne.s32 s31, s12;
	[sflag:s17] =	ssyncadd.s32 $0xFFFFD800  }
.Ltmp1:
0x7f: {  	[bflag:$0x0] =	sbarrier.arrive $0xFFFF;
	(pc) =	sbr.rel @p0 .LBB2_1-.Ltmp1, $4  }
0x80: {  	[hbm:s11], [sflag:s7] =	dma.local [spmem:s16], $0x2780  }
0x81: {  	_ =	swait.ge [sflag:s17], $0x2780  }
0x82: {  	[sflag:s17] =	ssyncset.done $0x0  }
0x83: {  	[sflag:s17] =	ssyncadd.s32 $0xFFFFD880  }
0x84: {  	_ =	sfence.sel $0x180000  }
0x85: {  	[bflag:$0x0] =	sbarrier.arrive $0xFFFF  }
0x86: {  	_ =	strace $0x90000047  }
0x87: {  	s0 =	stileid.u32;
	[bflag:$0x2] =	sbarrier.arrive $0xFFFF  }
0x88: {  	p0 =	sne.s32 s0, $0x0;
	s0 =	rddreg [dreg:$0x2]  }
0x89: {  	s0 =	sadd.s32 @!p0 $0x100000, s0  }
0x8a: {  	[sflag:s0] =	ssyncadd.tile.s32 @!p0 $0x1;
	_ =	shalt  }
.Lfunc_end2:
_tile_overlayer_lowered:
.L_overlay_start_2:
0x8b: {  	(tag) =	ssettag $0x2  }
0x8c: {  	s0 =	rddreg [dreg:$0x0];
	s2 =	stileid.u32  }
0x8d: {  	s1 =	rddreg [dreg:$0x1];
	p0 =	sne.s32 s2, $0x0  }
0x8e: {  	s3 =	rddreg [dreg:$0x2];
	[bflag:$0x3] =	sbarrier.arrive $0xFFFF;
	s2 =	simm.s32 @!p0 $0x1C05  }
0x8f: {  	[timem:s3], [sflag:s2] =	dma.local @!p0 [hbm:s0], s1  }
0x90: {  	s0 =	simm.s32 @!p0 $0x5  }
0x91: {  	_ =	swait.ge @!p0 [sflag:s0], s1  }
0x92: {  	s1 =	ssub.s32 @!p0 $0x0, s1;
	[sflag:s0] =	ssyncset.done @!p0 $0x0  }
0x93: {  	[sflag:s0] =	ssyncadd.s32 @!p0 s1  }
0x94: {  	[bflag:$0x3] =	sbarrier.arrive $0xFFFF  }
0x95: {  	_ =	shalt  }

</sc_bundles>
